<compile_context>
chip_gen: v7x
topology: tpu7x:2x2x1
jax: 0.10.2.dev20260603
libtpu: 0.0.44.dev20260713+nightly
codegen_flags: <defaults>
</compile_context>

<pallas_src>
import functools

import jax
import jax.numpy as jnp
from jax import lax
from jax.experimental import pallas as pl
from jax.experimental.pallas import tpu as pltpu
from jax.experimental.pallas import tpu_sc as plsc

_EP = 128


def _hist_sc(cards, mask, B, L):
    info = plsc.get_sparse_core_info()
    NC, NS = info.num_cores, info.num_subcores
    NW = NC * NS
    BPW = B // NW
    CH = 64
    NCHUNK = BPW // CH

    mesh = plsc.VectorSubcoreMesh(core_axis_name="c", subcore_axis_name="s")

    @functools.partial(
        pl.kernel,
        out_type=jax.ShapeDtypeStruct((B * _EP,), jnp.float32),
        mesh=mesh,
        compiler_params=pltpu.CompilerParams(needs_layout_passes=False,
                                             use_tc_tiling_on_sc=True),
        scratch_types=[
            pltpu.VMEM((CH, L), jnp.int32),
            pltpu.VMEM((CH, L), jnp.int32),
            pltpu.VMEM((CH, L), jnp.float32),
            pltpu.VMEM((CH, L), jnp.float32),
            pltpu.VMEM((BPW * _EP // 2,), jnp.float32),
            pltpu.VMEM((BPW * _EP // 2,), jnp.float32),
            pltpu.SemaphoreType.DMA,
            pltpu.SemaphoreType.DMA,
            pltpu.SemaphoreType.DMA,
            pltpu.SemaphoreType.DMA,
            pltpu.SemaphoreType.DMA,
        ],
    )
    def hist(cards_hbm, mask_hbm, w_hbm,
             cards_v0, cards_v1, mask_v0, mask_v1, acc_a, acc_b,
             sem_c0, sem_c1, sem_m0, sem_m1, sem_out):
        wid = lax.axis_index("s") * NC + lax.axis_index("c")
        base = wid * BPW
        cbufs = (cards_v0, cards_v1)
        mbufs = (mask_v0, mask_v1)
        csems = (sem_c0, sem_c1)
        msems = (sem_m0, sem_m1)

        def start(ch):
            slot = ch % 2
            sl = pl.ds(base + ch * CH, CH)
            hc = pltpu.async_copy(cards_hbm.at[sl, :], cbufs[slot], csems[slot])
            hm = pltpu.async_copy(mask_hbm.at[sl, :], mbufs[slot], msems[slot])
            return hc, hm

        pending = start(0)

        zeros16 = jnp.zeros((16,), jnp.float32)

        def zbody(i, _):
            for j in range(4):
                acc_a[pl.ds(i * _EP + j * 16, 16)] = zeros16
                acc_b[pl.ds(i * _EP + j * 16, 16)] = zeros16
            return 0

        lax.fori_loop(0, BPW // 2, zbody, 0)

        lanes = lax.iota(jnp.int32, 16)
        H = CH // 2

        for ch in range(NCHUNK):
            slot = ch % 2
            hc, hm = pending
            hc.wait()
            hm.wait()
            if ch + 1 < NCHUNK:
                pending = start(ch + 1)
            cards_v = cbufs[slot]
            mask_v = mbufs[slot]

            def gbody(g, _, cards_v=cards_v, mask_v=mask_v, ch=ch):
                rows_a = g * 16 + lanes
                rows_b = rows_a + H
                dst_a = (ch * H) * _EP + rows_a * _EP
                dst_b = (ch * H) * _EP + (rows_b - H) * _EP

                def lbody(l, _):
                    lv = l + lanes
                    lv = jnp.where(lv >= L, lv - L, lv)
                    ca = plsc.load_gather(cards_v, [rows_a, lv])
                    wa = plsc.load_gather(mask_v, [rows_a, lv])
                    cb = plsc.load_gather(cards_v, [rows_b, lv])
                    wb = plsc.load_gather(mask_v, [rows_b, lv])
                    plsc.addupdate_scatter(acc_a, [dst_a + ca], wa)
                    plsc.addupdate_scatter(acc_b, [dst_b + cb], wb)
                    return 0

                lax.fori_loop(0, L, lbody, 0)
                return 0

            lax.fori_loop(0, H // 16, gbody, 0)

        handles = []
        for ch in range(NCHUNK):
            handles.append(pltpu.async_copy(
                acc_a.at[pl.ds(ch * H * _EP, H * _EP)],
                w_hbm.at[pl.ds((base + ch * CH) * _EP, H * _EP)], sem_out))
            handles.append(pltpu.async_copy(
                acc_b.at[pl.ds(ch * H * _EP, H * _EP)],
                w_hbm.at[pl.ds((base + ch * CH + H) * _EP, H * _EP)], sem_out))
        for h in handles:
            h.wait()

    return hist(cards, mask)


def _matmul_tc(w, e_pad, B, D):
    BT = 2048

    def body(w_ref, e_ref, o_ref):
        o_ref[...] = jnp.dot(w_ref[:, :64], e_ref[...],
                             preferred_element_type=jnp.float32)

    return pl.pallas_call(
        body,
        grid=(B // BT,),
        in_specs=[
            pl.BlockSpec((BT, _EP), lambda i: (i, 0)),
            pl.BlockSpec((64, D), lambda i: (0, 0)),
        ],
        out_specs=pl.BlockSpec((BT, D), lambda i: (i, 0)),
        out_shape=jax.ShapeDtypeStruct((B, D), jnp.float32),
    )(w, e_pad)


def kernel(cards, mask, embedding):
    B, L = cards.shape
    E, D = embedding.shape
    w = _hist_sc(cards.astype(jnp.int32), mask, B, L).reshape(B, _EP)
    e_pad = jnp.zeros((64, D), jnp.float32).at[:E, :].set(embedding)
    return _matmul_tc(w, e_pad, B, D)

# --- scband reference (transcript-rebuilt; emitter-appended) ---
"""Pipeline reference for scband-card-encoder-17592186044557 (READ-ONLY COPY).

The authoritative reference and input builder live on the scoring server;
editing this copy changes nothing except your own understanding.
"""

import jax, jax.numpy as jnp
import numpy as np

B = 16384
L = 50
NUM_EMB = 53
DIM = 128


def setup_inputs(seed: int = 0) -> dict:
    key = jax.random.key(seed)
    k1, k2, k3 = jax.random.split(key, 3)
    cards = jax.random.randint(k1, (B, L), 0, NUM_EMB, dtype=jnp.int64 if jax.config.jax_enable_x64 else jnp.int32)
    mask = jax.random.uniform(k2, (B, L), dtype=jnp.float32)
    # nn.Embed default init: variance-scaling-ish normal; scale is irrelevant for correctness
    embedding = jax.random.normal(k3, (NUM_EMB, DIM), dtype=jnp.float32) * 0.02
    return {"cards": cards, "mask": mask, "embedding": embedding}


def reference(cards, mask, embedding):
    # nn.Embed lookup -> gather rows of the table
    embedded_cards = jnp.take(embedding, cards, axis=0)            # [B, L, DIM]
    masked_embedding = embedded_cards * mask[:, :, None]           # [B, L, DIM]
    masked_embedding = masked_embedding.sum(axis=1)                # [B, DIM]
    return masked_embedding

if __name__ == "__main__":
    import jax
    _d = setup_inputs()
    print(jax.jit(kernel)(*tuple(_d.values())))

</pallas_src>

<mosaic_0001>
#map = affine_map<(d0, d1) -> (0, 0)>
#map1 = affine_map<(d0, d1) -> (0)>
module attributes {stable_mosaic.version = 14 : i64} {
  func.func @hist(%arg0: i32, %arg1: i32, %arg2: memref<16384x50xi32, #tpu.memory_space<hbm>>, %arg3: memref<16384x50xf32, #tpu.memory_space<hbm>>, %arg4: memref<2097152xf32, #tpu.memory_space<hbm>>, %arg5: memref<64x50xi32, #tpu.memory_space<vmem>>, %arg6: memref<64x50xi32, #tpu.memory_space<vmem>>, %arg7: memref<64x50xf32, #tpu.memory_space<vmem>>, %arg8: memref<64x50xf32, #tpu.memory_space<vmem>>, %arg9: memref<32768xf32, #tpu.memory_space<vmem>>, %arg10: memref<32768xf32, #tpu.memory_space<vmem>>, %arg11: memref<!tpu.dma_semaphore, #tpu.memory_space<semaphore_mem>>, %arg12: memref<!tpu.dma_semaphore, #tpu.memory_space<semaphore_mem>>, %arg13: memref<!tpu.dma_semaphore, #tpu.memory_space<semaphore_mem>>, %arg14: memref<!tpu.dma_semaphore, #tpu.memory_space<semaphore_mem>>, %arg15: memref<!tpu.dma_semaphore, #tpu.memory_space<semaphore_mem>>) attributes {dimension_semantics = [#tpu.dimension_semantics<core_parallel>, #tpu.dimension_semantics<subcore_parallel>], iteration_bounds = array<i64: 2, 16>, scalar_prefetch = 0 : i64, scratch_operands = 11 : i64, tpu.core_type = #tpu.core_type<sc_vector_subcore>, window_params = [{transform_indices = #map}, {transform_indices = #map}, {transform_indices = #map1}]} {
    %mul3A = arith.constant 2 : i32
    %mul3A_0 = arith.muli %arg1, %mul3A : i32
    %add3A = arith.addi %mul3A_0, %arg0 : i32
    %mul3A_1 = arith.constant 512 : i32
    %mul3A_2 = arith.muli %add3A, %mul3A_1 : i32
    %add3A_3 = arith.constant 0 : i32
    %add3A_4 = arith.addi %mul3A_2, %add3A_3 : i32
    %dma_start3A = arith.constant 0 : i32
    %dma_start3A_5 = tpu.memref_slice %arg2[%add3A_4, %dma_start3A] : memref<16384x50xi32, #tpu.memory_space<hbm>> -> memref<64x50xi32, #tpu.memory_space<hbm>>
    %dma_start3A_6 = arith.constant 0 : i32
    %dma_start3A_7 = tpu.memref_slice %arg2[%add3A_4, %dma_start3A_6] : memref<16384x50xi32, #tpu.memory_space<hbm>> -> memref<64x50xi32, #tpu.memory_space<hbm>>
    tpu.enqueue_dma source(%dma_start3A_7 : memref<64x50xi32, #tpu.memory_space<hbm>>) target(%arg5 : memref<64x50xi32, #tpu.memory_space<vmem>>) target_semaphore(%arg11 : memref<!tpu.dma_semaphore, #tpu.memory_space<semaphore_mem>>)
    %dma_start3A_8 = arith.constant 0 : i32
    %dma_start3A_9 = tpu.memref_slice %arg3[%add3A_4, %dma_start3A_8] : memref<16384x50xf32, #tpu.memory_space<hbm>> -> memref<64x50xf32, #tpu.memory_space<hbm>>
    %dma_start3A_10 = arith.constant 0 : i32
    %dma_start3A_11 = tpu.memref_slice %arg3[%add3A_4, %dma_start3A_10] : memref<16384x50xf32, #tpu.memory_space<hbm>> -> memref<64x50xf32, #tpu.memory_space<hbm>>
    tpu.enqueue_dma source(%dma_start3A_11 : memref<64x50xf32, #tpu.memory_space<hbm>>) target(%arg7 : memref<64x50xf32, #tpu.memory_space<vmem>>) target_semaphore(%arg13 : memref<!tpu.dma_semaphore, #tpu.memory_space<semaphore_mem>>)
    %broadcast_in_dim3A = arith.constant 0.000000e+00 : f32
    %broadcast_in_dim3A_12 = vector.broadcast %broadcast_in_dim3A : f32 to vector<16xf32>
    %scan3A = arith.constant 0 : i32
    %scan3A_13 = arith.constant 0 : i32
    %scan3A_14 = arith.constant 256 : i32
    %scan3A_15 = arith.addi %scan3A_13, %scan3A_14 : i32
    %scan3A_16 = arith.constant 1 : i32
    %scan3A_17 = scf.for %scan3A_480 = %scan3A_13 to %scan3A_15 step %scan3A_16 iter_args(%scan3A_481 = %scan3A) -> (i32)  : i32 {
      %mul3A_482 = arith.constant 128 : i32
      %mul3A_483 = arith.muli %scan3A_480, %mul3A_482 : i32
      %add3A_484 = arith.constant 0 : i32
      %add3A_485 = arith.addi %mul3A_483, %add3A_484 : i32
      %swap3A = arith.index_cast %add3A_485 : i32 to index
      %swap3A_486 = tpu.vector_load %arg9[%swap3A] {strides = array<i32>} : memref<32768xf32, #tpu.memory_space<vmem>>, vector<16xf32>,
      tpu.vector_store %arg9[%swap3A], %broadcast_in_dim3A_12 {strides = array<i32>} : memref<32768xf32, #tpu.memory_space<vmem>>, vector<16xf32>,
      %mul3A_487 = arith.constant 128 : i32
      %mul3A_488 = arith.muli %scan3A_480, %mul3A_487 : i32
      %add3A_489 = arith.constant 0 : i32
      %add3A_490 = arith.addi %mul3A_488, %add3A_489 : i32
      %swap3A_491 = arith.index_cast %add3A_490 : i32 to index
      %swap3A_492 = tpu.vector_load %arg10[%swap3A_491] {strides = array<i32>} : memref<32768xf32, #tpu.memory_space<vmem>>, vector<16xf32>,
      tpu.vector_store %arg10[%swap3A_491], %broadcast_in_dim3A_12 {strides = array<i32>} : memref<32768xf32, #tpu.memory_space<vmem>>, vector<16xf32>,
      %mul3A_493 = arith.constant 128 : i32
      %mul3A_494 = arith.muli %scan3A_480, %mul3A_493 : i32
      %add3A_495 = arith.constant 16 : i32
      %add3A_496 = arith.addi %mul3A_494, %add3A_495 : i32
      %swap3A_497 = arith.index_cast %add3A_496 : i32 to index
      %swap3A_498 = tpu.vector_load %arg9[%swap3A_497] {strides = array<i32>} : memref<32768xf32, #tpu.memory_space<vmem>>, vector<16xf32>,
      tpu.vector_store %arg9[%swap3A_497], %broadcast_in_dim3A_12 {strides = array<i32>} : memref<32768xf32, #tpu.memory_space<vmem>>, vector<16xf32>,
      %mul3A_499 = arith.constant 128 : i32
      %mul3A_500 = arith.muli %scan3A_480, %mul3A_499 : i32
      %add3A_501 = arith.constant 16 : i32
      %add3A_502 = arith.addi %mul3A_500, %add3A_501 : i32
      %swap3A_503 = arith.index_cast %add3A_502 : i32 to index
      %swap3A_504 = tpu.vector_load %arg10[%swap3A_503] {strides = array<i32>} : memref<32768xf32, #tpu.memory_space<vmem>>, vector<16xf32>,
      tpu.vector_store %arg10[%swap3A_503], %broadcast_in_dim3A_12 {strides = array<i32>} : memref<32768xf32, #tpu.memory_space<vmem>>, vector<16xf32>,
      %mul3A_505 = arith.constant 128 : i32
      %mul3A_506 = arith.muli %scan3A_480, %mul3A_505 : i32
      %add3A_507 = arith.constant 32 : i32
      %add3A_508 = arith.addi %mul3A_506, %add3A_507 : i32
      %swap3A_509 = arith.index_cast %add3A_508 : i32 to index
      %swap3A_510 = tpu.vector_load %arg9[%swap3A_509] {strides = array<i32>} : memref<32768xf32, #tpu.memory_space<vmem>>, vector<16xf32>,
      tpu.vector_store %arg9[%swap3A_509], %broadcast_in_dim3A_12 {strides = array<i32>} : memref<32768xf32, #tpu.memory_space<vmem>>, vector<16xf32>,
      %mul3A_511 = arith.constant 128 : i32
      %mul3A_512 = arith.muli %scan3A_480, %mul3A_511 : i32
      %add3A_513 = arith.constant 32 : i32
      %add3A_514 = arith.addi %mul3A_512, %add3A_513 : i32
      %swap3A_515 = arith.index_cast %add3A_514 : i32 to index
      %swap3A_516 = tpu.vector_load %arg10[%swap3A_515] {strides = array<i32>} : memref<32768xf32, #tpu.memory_space<vmem>>, vector<16xf32>,
      tpu.vector_store %arg10[%swap3A_515], %broadcast_in_dim3A_12 {strides = array<i32>} : memref<32768xf32, #tpu.memory_space<vmem>>, vector<16xf32>,
      %mul3A_517 = arith.constant 128 : i32
      %mul3A_518 = arith.muli %scan3A_480, %mul3A_517 : i32
      %add3A_519 = arith.constant 48 : i32
      %add3A_520 = arith.addi %mul3A_518, %add3A_519 : i32
      %swap3A_521 = arith.index_cast %add3A_520 : i32 to index
      %swap3A_522 = tpu.vector_load %arg9[%swap3A_521] {strides = array<i32>} : memref<32768xf32, #tpu.memory_space<vmem>>, vector<16xf32>,
      tpu.vector_store %arg9[%swap3A_521], %broadcast_in_dim3A_12 {strides = array<i32>} : memref<32768xf32, #tpu.memory_space<vmem>>, vector<16xf32>,
      %mul3A_523 = arith.constant 128 : i32
      %mul3A_524 = arith.muli %scan3A_480, %mul3A_523 : i32
      %add3A_525 = arith.constant 48 : i32
      %add3A_526 = arith.addi %mul3A_524, %add3A_525 : i32
      %swap3A_527 = arith.index_cast %add3A_526 : i32 to index
      %swap3A_528 = tpu.vector_load %arg10[%swap3A_527] {strides = array<i32>} : memref<32768xf32, #tpu.memory_space<vmem>>, vector<16xf32>,
      tpu.vector_store %arg10[%swap3A_527], %broadcast_in_dim3A_12 {strides = array<i32>} : memref<32768xf32, #tpu.memory_space<vmem>>, vector<16xf32>,
      %scan3A_529 = arith.constant 0 : i32
      scf.yield %scan3A_529 : i32
    }
    %scan3A_18 = arith.constant 256 : i32
    %iota3A = tpu.iota {dimensions = array<i32: 0>} : vector<16xi32>
    %dma_wait3A = arith.constant 0 : i32
    %dma_wait3A_19 = tpu.memref_slice %arg2[%add3A_4, %dma_wait3A] : memref<16384x50xi32, #tpu.memory_space<hbm>> -> memref<64x50xi32, #tpu.memory_space<hbm>>
    %dma_wait3A_20 = arith.constant 0 : i32
    %dma_wait3A_21 = tpu.memref_slice %arg2[%add3A_4, %dma_wait3A_20] : memref<16384x50xi32, #tpu.memory_space<hbm>> -> memref<64x50xi32, #tpu.memory_space<hbm>>
    tpu.wait_dma2 semaphore(%arg11 : memref<!tpu.dma_semaphore, #tpu.memory_space<semaphore_mem>>) src(%dma_wait3A_21 : memref<64x50xi32, #tpu.memory_space<hbm>>) dst(%arg5 : memref<64x50xi32, #tpu.memory_space<vmem>>)
    %dma_wait3A_22 = arith.constant 0 : i32
    %dma_wait3A_23 = tpu.memref_slice %arg3[%add3A_4, %dma_wait3A_22] : memref<16384x50xf32, #tpu.memory_space<hbm>> -> memref<64x50xf32, #tpu.memory_space<hbm>>
    %dma_wait3A_24 = arith.constant 0 : i32
    %dma_wait3A_25 = tpu.memref_slice %arg3[%add3A_4, %dma_wait3A_24] : memref<16384x50xf32, #tpu.memory_space<hbm>> -> memref<64x50xf32, #tpu.memory_space<hbm>>
    tpu.wait_dma2 semaphore(%arg13 : memref<!tpu.dma_semaphore, #tpu.memory_space<semaphore_mem>>) src(%dma_wait3A_25 : memref<64x50xf32, #tpu.memory_space<hbm>>) dst(%arg7 : memref<64x50xf32, #tpu.memory_space<vmem>>)
    %add3A_26 = arith.constant 64 : i32
    %add3A_27 = arith.addi %mul3A_2, %add3A_26 : i32
    %dma_start3A_28 = arith.constant 0 : i32
    %dma_start3A_29 = tpu.memref_slice %arg2[%add3A_27, %dma_start3A_28] : memref<16384x50xi32, #tpu.memory_space<hbm>> -> memref<64x50xi32, #tpu.memory_space<hbm>>
    %dma_start3A_30 = arith.constant 0 : i32
    %dma_start3A_31 = tpu.memref_slice %arg2[%add3A_27, %dma_start3A_30] : memref<16384x50xi32, #tpu.memory_space<hbm>> -> memref<64x50xi32, #tpu.memory_space<hbm>>
    tpu.enqueue_dma source(%dma_start3A_31 : memref<64x50xi32, #tpu.memory_space<hbm>>) target(%arg6 : memref<64x50xi32, #tpu.memory_space<vmem>>) target_semaphore(%arg12 : memref<!tpu.dma_semaphore, #tpu.memory_space<semaphore_mem>>)
    %dma_start3A_32 = arith.constant 0 : i32
    %dma_start3A_33 = tpu.memref_slice %arg3[%add3A_27, %dma_start3A_32] : memref<16384x50xf32, #tpu.memory_space<hbm>> -> memref<64x50xf32, #tpu.memory_space<hbm>>
    %dma_start3A_34 = arith.constant 0 : i32
    %dma_start3A_35 = tpu.memref_slice %arg3[%add3A_27, %dma_start3A_34] : memref<16384x50xf32, #tpu.memory_space<hbm>> -> memref<64x50xf32, #tpu.memory_space<hbm>>
    tpu.enqueue_dma source(%dma_start3A_35 : memref<64x50xf32, #tpu.memory_space<hbm>>) target(%arg8 : memref<64x50xf32, #tpu.memory_space<vmem>>) target_semaphore(%arg14 : memref<!tpu.dma_semaphore, #tpu.memory_space<semaphore_mem>>)
    %scan3A_36 = arith.constant 0 : i32
    %scan3A_37 = arith.constant 0 : i32
    %scan3A_38 = arith.constant 2 : i32
    %scan3A_39 = arith.addi %scan3A_37, %scan3A_38 : i32
    %scan3A_40 = arith.constant 1 : i32
    %scan3A_41 = scf.for %scan3A_480 = %scan3A_37 to %scan3A_39 step %scan3A_40 iter_args(%scan3A_481 = %scan3A_36) -> (i32)  : i32 {
      %mul3A_482 = arith.constant 16 : i32
      %mul3A_483 = arith.muli %scan3A_480, %mul3A_482 : i32
      %add3A_484 = vector.broadcast %mul3A_483 : i32 to vector<16xi32>
      %add3A_485 = arith.addi %add3A_484, %iota3A : vector<16xi32>
      %add3A_486 = arith.constant 32 : i32
      %add3A_487 = vector.broadcast %add3A_486 : i32 to vector<16xi32>
      %add3A_488 = arith.addi %add3A_485, %add3A_487 : vector<16xi32>
      %mul3A_489 = arith.constant 128 : i32
      %mul3A_490 = vector.broadcast %mul3A_489 : i32 to vector<16xi32>
      %mul3A_491 = arith.muli %add3A_485, %mul3A_490 : vector<16xi32>
      %add3A_492 = arith.constant 0 : i32
      %add3A_493 = vector.broadcast %add3A_492 : i32 to vector<16xi32>
      %add3A_494 = arith.addi %add3A_493, %mul3A_491 : vector<16xi32>
      %sub3A = arith.constant 32 : i32
      %sub3A_495 = vector.broadcast %sub3A : i32 to vector<16xi32>
      %sub3A_496 = arith.subi %add3A_488, %sub3A_495 : vector<16xi32>
      %mul3A_497 = arith.constant 128 : i32
      %mul3A_498 = vector.broadcast %mul3A_497 : i32 to vector<16xi32>
      %mul3A_499 = arith.muli %sub3A_496, %mul3A_498 : vector<16xi32>
      %add3A_500 = arith.constant 0 : i32
      %add3A_501 = vector.broadcast %add3A_500 : i32 to vector<16xi32>
      %add3A_502 = arith.addi %add3A_501, %mul3A_499 : vector<16xi32>
      %scan3A_503 = arith.constant 0 : i32
      %scan3A_504 = arith.constant 0 : i32
      %scan3A_505 = arith.constant 50 : i32
      %scan3A_506 = arith.addi %scan3A_504, %scan3A_505 : i32
      %scan3A_507 = arith.constant 1 : i32
      %scan3A_508 = scf.for %scan3A_511 = %scan3A_504 to %scan3A_506 step %scan3A_507 iter_args(%scan3A_512 = %scan3A_503) -> (i32)  : i32 {
        %add3A_513 = vector.broadcast %scan3A_511 : i32 to vector<16xi32>
        %add3A_514 = arith.addi %add3A_513, %iota3A : vector<16xi32>
        %ge3A = arith.constant 50 : i32
        %ge3A_515 = vector.broadcast %ge3A : i32 to vector<16xi32>
        %ge3A_516 = arith.cmpi sge, %add3A_514, %ge3A_515 : vector<16xi32>
        %sub3A_517 = arith.constant 50 : i32
        %sub3A_518 = vector.broadcast %sub3A_517 : i32 to vector<16xi32>
        %sub3A_519 = arith.subi %add3A_514, %sub3A_518 : vector<16xi32>
        %select_n3A = arith.select %ge3A_516, %sub3A_519, %add3A_514 : vector<16xi1>, vector<16xi32>
        %gather3A = tpu.vector_load_idx %arg5[%add3A_485, %select_n3A] : memref<64x50xi32, #tpu.memory_space<vmem>>[vector<16xi32>, vector<16xi32>], vector<16xi32>,
        %gather3A_520 = tpu.vector_load_idx %arg7[%add3A_485, %select_n3A] : memref<64x50xf32, #tpu.memory_space<vmem>>[vector<16xi32>, vector<16xi32>], vector<16xf32>,
        %gather3A_521 = tpu.vector_load_idx %arg5[%add3A_488, %select_n3A] : memref<64x50xi32, #tpu.memory_space<vmem>>[vector<16xi32>, vector<16xi32>], vector<16xi32>,
        %gather3A_522 = tpu.vector_load_idx %arg7[%add3A_488, %select_n3A] : memref<64x50xf32, #tpu.memory_space<vmem>>[vector<16xi32>, vector<16xi32>], vector<16xf32>,
        %add3A_523 = arith.addi %add3A_494, %gather3A : vector<16xi32>
        tpu.vector_store_idx %arg9[%add3A_523], %gather3A_520 {add = true} : memref<32768xf32, #tpu.memory_space<vmem>>[vector<16xi32>], vector<16xf32>,
        %add3A_524 = arith.addi %add3A_502, %gather3A_521 : vector<16xi32>
        tpu.vector_store_idx %arg10[%add3A_524], %gather3A_522 {add = true} : memref<32768xf32, #tpu.memory_space<vmem>>[vector<16xi32>], vector<16xf32>,
        %scan3A_525 = arith.constant 0 : i32
        scf.yield %scan3A_525 : i32
      }
      %scan3A_509 = arith.constant 50 : i32
      %scan3A_510 = arith.constant 0 : i32
      scf.yield %scan3A_510 : i32
    }
    %scan3A_42 = arith.constant 2 : i32
    %dma_wait3A_43 = arith.constant 0 : i32
    %dma_wait3A_44 = tpu.memref_slice %arg2[%add3A_27, %dma_wait3A_43] : memref<16384x50xi32, #tpu.memory_space<hbm>> -> memref<64x50xi32, #tpu.memory_space<hbm>>
    %dma_wait3A_45 = arith.constant 0 : i32
    %dma_wait3A_46 = tpu.memref_slice %arg2[%add3A_27, %dma_wait3A_45] : memref<16384x50xi32, #tpu.memory_space<hbm>> -> memref<64x50xi32, #tpu.memory_space<hbm>>
    tpu.wait_dma2 semaphore(%arg12 : memref<!tpu.dma_semaphore, #tpu.memory_space<semaphore_mem>>) src(%dma_wait3A_46 : memref<64x50xi32, #tpu.memory_space<hbm>>) dst(%arg6 : memref<64x50xi32, #tpu.memory_space<vmem>>)
    %dma_wait3A_47 = arith.constant 0 : i32
    %dma_wait3A_48 = tpu.memref_slice %arg3[%add3A_27, %dma_wait3A_47] : memref<16384x50xf32, #tpu.memory_space<hbm>> -> memref<64x50xf32, #tpu.memory_space<hbm>>
    %dma_wait3A_49 = arith.constant 0 : i32
    %dma_wait3A_50 = tpu.memref_slice %arg3[%add3A_27, %dma_wait3A_49] : memref<16384x50xf32, #tpu.memory_space<hbm>> -> memref<64x50xf32, #tpu.memory_space<hbm>>
    tpu.wait_dma2 semaphore(%arg14 : memref<!tpu.dma_semaphore, #tpu.memory_space<semaphore_mem>>) src(%dma_wait3A_50 : memref<64x50xf32, #tpu.memory_space<hbm>>) dst(%arg8 : memref<64x50xf32, #tpu.memory_space<vmem>>)
    %add3A_51 = arith.constant 128 : i32
    %add3A_52 = arith.addi %mul3A_2, %add3A_51 : i32
    %dma_start3A_53 = arith.constant 0 : i32
    %dma_start3A_54 = tpu.memref_slice %arg2[%add3A_52, %dma_start3A_53] : memref<16384x50xi32, #tpu.memory_space<hbm>> -> memref<64x50xi32, #tpu.memory_space<hbm>>
    %dma_start3A_55 = arith.constant 0 : i32
    %dma_start3A_56 = tpu.memref_slice %arg2[%add3A_52, %dma_start3A_55] : memref<16384x50xi32, #tpu.memory_space<hbm>> -> memref<64x50xi32, #tpu.memory_space<hbm>>
    tpu.enqueue_dma source(%dma_start3A_56 : memref<64x50xi32, #tpu.memory_space<hbm>>) target(%arg5 : memref<64x50xi32, #tpu.memory_space<vmem>>) target_semaphore(%arg11 : memref<!tpu.dma_semaphore, #tpu.memory_space<semaphore_mem>>)
    %dma_start3A_57 = arith.constant 0 : i32
    %dma_start3A_58 = tpu.memref_slice %arg3[%add3A_52, %dma_start3A_57] : memref<16384x50xf32, #tpu.memory_space<hbm>> -> memref<64x50xf32, #tpu.memory_space<hbm>>
    %dma_start3A_59 = arith.constant 0 : i32
    %dma_start3A_60 = tpu.memref_slice %arg3[%add3A_52, %dma_start3A_59] : memref<16384x50xf32, #tpu.memory_space<hbm>> -> memref<64x50xf32, #tpu.memory_space<hbm>>
    tpu.enqueue_dma source(%dma_start3A_60 : memref<64x50xf32, #tpu.memory_space<hbm>>) target(%arg7 : memref<64x50xf32, #tpu.memory_space<vmem>>) target_semaphore(%arg13 : memref<!tpu.dma_semaphore, #tpu.memory_space<semaphore_mem>>)
    %scan3A_61 = arith.constant 0 : i32
    %scan3A_62 = arith.constant 0 : i32
    %scan3A_63 = arith.constant 2 : i32
    %scan3A_64 = arith.addi %scan3A_62, %scan3A_63 : i32
    %scan3A_65 = arith.constant 1 : i32
    %scan3A_66 = scf.for %scan3A_480 = %scan3A_62 to %scan3A_64 step %scan3A_65 iter_args(%scan3A_481 = %scan3A_61) -> (i32)  : i32 {
      %mul3A_482 = arith.constant 16 : i32
      %mul3A_483 = arith.muli %scan3A_480, %mul3A_482 : i32
      %add3A_484 = vector.broadcast %mul3A_483 : i32 to vector<16xi32>
      %add3A_485 = arith.addi %add3A_484, %iota3A : vector<16xi32>
      %add3A_486 = arith.constant 32 : i32
      %add3A_487 = vector.broadcast %add3A_486 : i32 to vector<16xi32>
      %add3A_488 = arith.addi %add3A_485, %add3A_487 : vector<16xi32>
      %mul3A_489 = arith.constant 128 : i32
      %mul3A_490 = vector.broadcast %mul3A_489 : i32 to vector<16xi32>
      %mul3A_491 = arith.muli %add3A_485, %mul3A_490 : vector<16xi32>
      %add3A_492 = arith.constant 4096 : i32
      %add3A_493 = vector.broadcast %add3A_492 : i32 to vector<16xi32>
      %add3A_494 = arith.addi %add3A_493, %mul3A_491 : vector<16xi32>
      %sub3A = arith.constant 32 : i32
      %sub3A_495 = vector.broadcast %sub3A : i32 to vector<16xi32>
      %sub3A_496 = arith.subi %add3A_488, %sub3A_495 : vector<16xi32>
      %mul3A_497 = arith.constant 128 : i32
      %mul3A_498 = vector.broadcast %mul3A_497 : i32 to vector<16xi32>
      %mul3A_499 = arith.muli %sub3A_496, %mul3A_498 : vector<16xi32>
      %add3A_500 = arith.constant 4096 : i32
      %add3A_501 = vector.broadcast %add3A_500 : i32 to vector<16xi32>
      %add3A_502 = arith.addi %add3A_501, %mul3A_499 : vector<16xi32>
      %scan3A_503 = arith.constant 0 : i32
      %scan3A_504 = arith.constant 0 : i32
      %scan3A_505 = arith.constant 50 : i32
      %scan3A_506 = arith.addi %scan3A_504, %scan3A_505 : i32
      %scan3A_507 = arith.constant 1 : i32
      %scan3A_508 = scf.for %scan3A_511 = %scan3A_504 to %scan3A_506 step %scan3A_507 iter_args(%scan3A_512 = %scan3A_503) -> (i32)  : i32 {
        %add3A_513 = vector.broadcast %scan3A_511 : i32 to vector<16xi32>
        %add3A_514 = arith.addi %add3A_513, %iota3A : vector<16xi32>
        %ge3A = arith.constant 50 : i32
        %ge3A_515 = vector.broadcast %ge3A : i32 to vector<16xi32>
        %ge3A_516 = arith.cmpi sge, %add3A_514, %ge3A_515 : vector<16xi32>
        %sub3A_517 = arith.constant 50 : i32
        %sub3A_518 = vector.broadcast %sub3A_517 : i32 to vector<16xi32>
        %sub3A_519 = arith.subi %add3A_514, %sub3A_518 : vector<16xi32>
        %select_n3A = arith.select %ge3A_516, %sub3A_519, %add3A_514 : vector<16xi1>, vector<16xi32>
        %gather3A = tpu.vector_load_idx %arg6[%add3A_485, %select_n3A] : memref<64x50xi32, #tpu.memory_space<vmem>>[vector<16xi32>, vector<16xi32>], vector<16xi32>,
        %gather3A_520 = tpu.vector_load_idx %arg8[%add3A_485, %select_n3A] : memref<64x50xf32, #tpu.memory_space<vmem>>[vector<16xi32>, vector<16xi32>], vector<16xf32>,
        %gather3A_521 = tpu.vector_load_idx %arg6[%add3A_488, %select_n3A] : memref<64x50xi32, #tpu.memory_space<vmem>>[vector<16xi32>, vector<16xi32>], vector<16xi32>,
        %gather3A_522 = tpu.vector_load_idx %arg8[%add3A_488, %select_n3A] : memref<64x50xf32, #tpu.memory_space<vmem>>[vector<16xi32>, vector<16xi32>], vector<16xf32>,
        %add3A_523 = arith.addi %add3A_494, %gather3A : vector<16xi32>
        tpu.vector_store_idx %arg9[%add3A_523], %gather3A_520 {add = true} : memref<32768xf32, #tpu.memory_space<vmem>>[vector<16xi32>], vector<16xf32>,
        %add3A_524 = arith.addi %add3A_502, %gather3A_521 : vector<16xi32>
        tpu.vector_store_idx %arg10[%add3A_524], %gather3A_522 {add = true} : memref<32768xf32, #tpu.memory_space<vmem>>[vector<16xi32>], vector<16xf32>,
        %scan3A_525 = arith.constant 0 : i32
        scf.yield %scan3A_525 : i32
      }
      %scan3A_509 = arith.constant 50 : i32
      %scan3A_510 = arith.constant 0 : i32
      scf.yield %scan3A_510 : i32
    }
    %scan3A_67 = arith.constant 2 : i32
    %dma_wait3A_68 = arith.constant 0 : i32
    %dma_wait3A_69 = tpu.memref_slice %arg2[%add3A_52, %dma_wait3A_68] : memref<16384x50xi32, #tpu.memory_space<hbm>> -> memref<64x50xi32, #tpu.memory_space<hbm>>
    %dma_wait3A_70 = arith.constant 0 : i32
    %dma_wait3A_71 = tpu.memref_slice %arg2[%add3A_52, %dma_wait3A_70] : memref<16384x50xi32, #tpu.memory_space<hbm>> -> memref<64x50xi32, #tpu.memory_space<hbm>>
    tpu.wait_dma2 semaphore(%arg11 : memref<!tpu.dma_semaphore, #tpu.memory_space<semaphore_mem>>) src(%dma_wait3A_71 : memref<64x50xi32, #tpu.memory_space<hbm>>) dst(%arg5 : memref<64x50xi32, #tpu.memory_space<vmem>>)
    %dma_wait3A_72 = arith.constant 0 : i32
    %dma_wait3A_73 = tpu.memref_slice %arg3[%add3A_52, %dma_wait3A_72] : memref<16384x50xf32, #tpu.memory_space<hbm>> -> memref<64x50xf32, #tpu.memory_space<hbm>>
    %dma_wait3A_74 = arith.constant 0 : i32
    %dma_wait3A_75 = tpu.memref_slice %arg3[%add3A_52, %dma_wait3A_74] : memref<16384x50xf32, #tpu.memory_space<hbm>> -> memref<64x50xf32, #tpu.memory_space<hbm>>
    tpu.wait_dma2 semaphore(%arg13 : memref<!tpu.dma_semaphore, #tpu.memory_space<semaphore_mem>>) src(%dma_wait3A_75 : memref<64x50xf32, #tpu.memory_space<hbm>>) dst(%arg7 : memref<64x50xf32, #tpu.memory_space<vmem>>)
    %add3A_76 = arith.constant 192 : i32
    %add3A_77 = arith.addi %mul3A_2, %add3A_76 : i32
    %dma_start3A_78 = arith.constant 0 : i32
    %dma_start3A_79 = tpu.memref_slice %arg2[%add3A_77, %dma_start3A_78] : memref<16384x50xi32, #tpu.memory_space<hbm>> -> memref<64x50xi32, #tpu.memory_space<hbm>>
    %dma_start3A_80 = arith.constant 0 : i32
    %dma_start3A_81 = tpu.memref_slice %arg2[%add3A_77, %dma_start3A_80] : memref<16384x50xi32, #tpu.memory_space<hbm>> -> memref<64x50xi32, #tpu.memory_space<hbm>>
    tpu.enqueue_dma source(%dma_start3A_81 : memref<64x50xi32, #tpu.memory_space<hbm>>) target(%arg6 : memref<64x50xi32, #tpu.memory_space<vmem>>) target_semaphore(%arg12 : memref<!tpu.dma_semaphore, #tpu.memory_space<semaphore_mem>>)
    %dma_start3A_82 = arith.constant 0 : i32
    %dma_start3A_83 = tpu.memref_slice %arg3[%add3A_77, %dma_start3A_82] : memref<16384x50xf32, #tpu.memory_space<hbm>> -> memref<64x50xf32, #tpu.memory_space<hbm>>
    %dma_start3A_84 = arith.constant 0 : i32
    %dma_start3A_85 = tpu.memref_slice %arg3[%add3A_77, %dma_start3A_84] : memref<16384x50xf32, #tpu.memory_space<hbm>> -> memref<64x50xf32, #tpu.memory_space<hbm>>
    tpu.enqueue_dma source(%dma_start3A_85 : memref<64x50xf32, #tpu.memory_space<hbm>>) target(%arg8 : memref<64x50xf32, #tpu.memory_space<vmem>>) target_semaphore(%arg14 : memref<!tpu.dma_semaphore, #tpu.memory_space<semaphore_mem>>)
    %scan3A_86 = arith.constant 0 : i32
    %scan3A_87 = arith.constant 0 : i32
    %scan3A_88 = arith.constant 2 : i32
    %scan3A_89 = arith.addi %scan3A_87, %scan3A_88 : i32
    %scan3A_90 = arith.constant 1 : i32
    %scan3A_91 = scf.for %scan3A_480 = %scan3A_87 to %scan3A_89 step %scan3A_90 iter_args(%scan3A_481 = %scan3A_86) -> (i32)  : i32 {
      %mul3A_482 = arith.constant 16 : i32
      %mul3A_483 = arith.muli %scan3A_480, %mul3A_482 : i32
      %add3A_484 = vector.broadcast %mul3A_483 : i32 to vector<16xi32>
      %add3A_485 = arith.addi %add3A_484, %iota3A : vector<16xi32>
      %add3A_486 = arith.constant 32 : i32
      %add3A_487 = vector.broadcast %add3A_486 : i32 to vector<16xi32>
      %add3A_488 = arith.addi %add3A_485, %add3A_487 : vector<16xi32>
      %mul3A_489 = arith.constant 128 : i32
      %mul3A_490 = vector.broadcast %mul3A_489 : i32 to vector<16xi32>
      %mul3A_491 = arith.muli %add3A_485, %mul3A_490 : vector<16xi32>
      %add3A_492 = arith.constant 8192 : i32
      %add3A_493 = vector.broadcast %add3A_492 : i32 to vector<16xi32>
      %add3A_494 = arith.addi %add3A_493, %mul3A_491 : vector<16xi32>
      %sub3A = arith.constant 32 : i32
      %sub3A_495 = vector.broadcast %sub3A : i32 to vector<16xi32>
      %sub3A_496 = arith.subi %add3A_488, %sub3A_495 : vector<16xi32>
      %mul3A_497 = arith.constant 128 : i32
      %mul3A_498 = vector.broadcast %mul3A_497 : i32 to vector<16xi32>
      %mul3A_499 = arith.muli %sub3A_496, %mul3A_498 : vector<16xi32>
      %add3A_500 = arith.constant 8192 : i32
      %add3A_501 = vector.broadcast %add3A_500 : i32 to vector<16xi32>
      %add3A_502 = arith.addi %add3A_501, %mul3A_499 : vector<16xi32>
      %scan3A_503 = arith.constant 0 : i32
      %scan3A_504 = arith.constant 0 : i32
      %scan3A_505 = arith.constant 50 : i32
      %scan3A_506 = arith.addi %scan3A_504, %scan3A_505 : i32
      %scan3A_507 = arith.constant 1 : i32
      %scan3A_508 = scf.for %scan3A_511 = %scan3A_504 to %scan3A_506 step %scan3A_507 iter_args(%scan3A_512 = %scan3A_503) -> (i32)  : i32 {
        %add3A_513 = vector.broadcast %scan3A_511 : i32 to vector<16xi32>
        %add3A_514 = arith.addi %add3A_513, %iota3A : vector<16xi32>
        %ge3A = arith.constant 50 : i32
        %ge3A_515 = vector.broadcast %ge3A : i32 to vector<16xi32>
        %ge3A_516 = arith.cmpi sge, %add3A_514, %ge3A_515 : vector<16xi32>
        %sub3A_517 = arith.constant 50 : i32
        %sub3A_518 = vector.broadcast %sub3A_517 : i32 to vector<16xi32>
        %sub3A_519 = arith.subi %add3A_514, %sub3A_518 : vector<16xi32>
        %select_n3A = arith.select %ge3A_516, %sub3A_519, %add3A_514 : vector<16xi1>, vector<16xi32>
        %gather3A = tpu.vector_load_idx %arg5[%add3A_485, %select_n3A] : memref<64x50xi32, #tpu.memory_space<vmem>>[vector<16xi32>, vector<16xi32>], vector<16xi32>,
        %gather3A_520 = tpu.vector_load_idx %arg7[%add3A_485, %select_n3A] : memref<64x50xf32, #tpu.memory_space<vmem>>[vector<16xi32>, vector<16xi32>], vector<16xf32>,
        %gather3A_521 = tpu.vector_load_idx %arg5[%add3A_488, %select_n3A] : memref<64x50xi32, #tpu.memory_space<vmem>>[vector<16xi32>, vector<16xi32>], vector<16xi32>,
        %gather3A_522 = tpu.vector_load_idx %arg7[%add3A_488, %select_n3A] : memref<64x50xf32, #tpu.memory_space<vmem>>[vector<16xi32>, vector<16xi32>], vector<16xf32>,
        %add3A_523 = arith.addi %add3A_494, %gather3A : vector<16xi32>
        tpu.vector_store_idx %arg9[%add3A_523], %gather3A_520 {add = true} : memref<32768xf32, #tpu.memory_space<vmem>>[vector<16xi32>], vector<16xf32>,
        %add3A_524 = arith.addi %add3A_502, %gather3A_521 : vector<16xi32>
        tpu.vector_store_idx %arg10[%add3A_524], %gather3A_522 {add = true} : memref<32768xf32, #tpu.memory_space<vmem>>[vector<16xi32>], vector<16xf32>,
        %scan3A_525 = arith.constant 0 : i32
        scf.yield %scan3A_525 : i32
      }
      %scan3A_509 = arith.constant 50 : i32
      %scan3A_510 = arith.constant 0 : i32
      scf.yield %scan3A_510 : i32
    }
    %scan3A_92 = arith.constant 2 : i32
    %dma_wait3A_93 = arith.constant 0 : i32
    %dma_wait3A_94 = tpu.memref_slice %arg2[%add3A_77, %dma_wait3A_93] : memref<16384x50xi32, #tpu.memory_space<hbm>> -> memref<64x50xi32, #tpu.memory_space<hbm>>
    %dma_wait3A_95 = arith.constant 0 : i32
    %dma_wait3A_96 = tpu.memref_slice %arg2[%add3A_77, %dma_wait3A_95] : memref<16384x50xi32, #tpu.memory_space<hbm>> -> memref<64x50xi32, #tpu.memory_space<hbm>>
    tpu.wait_dma2 semaphore(%arg12 : memref<!tpu.dma_semaphore, #tpu.memory_space<semaphore_mem>>) src(%dma_wait3A_96 : memref<64x50xi32, #tpu.memory_space<hbm>>) dst(%arg6 : memref<64x50xi32, #tpu.memory_space<vmem>>)
    %dma_wait3A_97 = arith.constant 0 : i32
    %dma_wait3A_98 = tpu.memref_slice %arg3[%add3A_77, %dma_wait3A_97] : memref<16384x50xf32, #tpu.memory_space<hbm>> -> memref<64x50xf32, #tpu.memory_space<hbm>>
    %dma_wait3A_99 = arith.constant 0 : i32
    %dma_wait3A_100 = tpu.memref_slice %arg3[%add3A_77, %dma_wait3A_99] : memref<16384x50xf32, #tpu.memory_space<hbm>> -> memref<64x50xf32, #tpu.memory_space<hbm>>
    tpu.wait_dma2 semaphore(%arg14 : memref<!tpu.dma_semaphore, #tpu.memory_space<semaphore_mem>>) src(%dma_wait3A_100 : memref<64x50xf32, #tpu.memory_space<hbm>>) dst(%arg8 : memref<64x50xf32, #tpu.memory_space<vmem>>)
    %add3A_101 = arith.constant 256 : i32
    %add3A_102 = arith.addi %mul3A_2, %add3A_101 : i32
    %dma_start3A_103 = arith.constant 0 : i32
    %dma_start3A_104 = tpu.memref_slice %arg2[%add3A_102, %dma_start3A_103] : memref<16384x50xi32, #tpu.memory_space<hbm>> -> memref<64x50xi32, #tpu.memory_space<hbm>>
    %dma_start3A_105 = arith.constant 0 : i32
    %dma_start3A_106 = tpu.memref_slice %arg2[%add3A_102, %dma_start3A_105] : memref<16384x50xi32, #tpu.memory_space<hbm>> -> memref<64x50xi32, #tpu.memory_space<hbm>>
    tpu.enqueue_dma source(%dma_start3A_106 : memref<64x50xi32, #tpu.memory_space<hbm>>) target(%arg5 : memref<64x50xi32, #tpu.memory_space<vmem>>) target_semaphore(%arg11 : memref<!tpu.dma_semaphore, #tpu.memory_space<semaphore_mem>>)
    %dma_start3A_107 = arith.constant 0 : i32
    %dma_start3A_108 = tpu.memref_slice %arg3[%add3A_102, %dma_start3A_107] : memref<16384x50xf32, #tpu.memory_space<hbm>> -> memref<64x50xf32, #tpu.memory_space<hbm>>
    %dma_start3A_109 = arith.constant 0 : i32
    %dma_start3A_110 = tpu.memref_slice %arg3[%add3A_102, %dma_start3A_109] : memref<16384x50xf32, #tpu.memory_space<hbm>> -> memref<64x50xf32, #tpu.memory_space<hbm>>
    tpu.enqueue_dma source(%dma_start3A_110 : memref<64x50xf32, #tpu.memory_space<hbm>>) target(%arg7 : memref<64x50xf32, #tpu.memory_space<vmem>>) target_semaphore(%arg13 : memref<!tpu.dma_semaphore, #tpu.memory_space<semaphore_mem>>)
    %scan3A_111 = arith.constant 0 : i32
    %scan3A_112 = arith.constant 0 : i32
    %scan3A_113 = arith.constant 2 : i32
    %scan3A_114 = arith.addi %scan3A_112, %scan3A_113 : i32
    %scan3A_115 = arith.constant 1 : i32
    %scan3A_116 = scf.for %scan3A_480 = %scan3A_112 to %scan3A_114 step %scan3A_115 iter_args(%scan3A_481 = %scan3A_111) -> (i32)  : i32 {
      %mul3A_482 = arith.constant 16 : i32
      %mul3A_483 = arith.muli %scan3A_480, %mul3A_482 : i32
      %add3A_484 = vector.broadcast %mul3A_483 : i32 to vector<16xi32>
      %add3A_485 = arith.addi %add3A_484, %iota3A : vector<16xi32>
      %add3A_486 = arith.constant 32 : i32
      %add3A_487 = vector.broadcast %add3A_486 : i32 to vector<16xi32>
      %add3A_488 = arith.addi %add3A_485, %add3A_487 : vector<16xi32>
      %mul3A_489 = arith.constant 128 : i32
      %mul3A_490 = vector.broadcast %mul3A_489 : i32 to vector<16xi32>
      %mul3A_491 = arith.muli %add3A_485, %mul3A_490 : vector<16xi32>
      %add3A_492 = arith.constant 12288 : i32
      %add3A_493 = vector.broadcast %add3A_492 : i32 to vector<16xi32>
      %add3A_494 = arith.addi %add3A_493, %mul3A_491 : vector<16xi32>
      %sub3A = arith.constant 32 : i32
      %sub3A_495 = vector.broadcast %sub3A : i32 to vector<16xi32>
      %sub3A_496 = arith.subi %add3A_488, %sub3A_495 : vector<16xi32>
      %mul3A_497 = arith.constant 128 : i32
      %mul3A_498 = vector.broadcast %mul3A_497 : i32 to vector<16xi32>
      %mul3A_499 = arith.muli %sub3A_496, %mul3A_498 : vector<16xi32>
      %add3A_500 = arith.constant 12288 : i32
      %add3A_501 = vector.broadcast %add3A_500 : i32 to vector<16xi32>
      %add3A_502 = arith.addi %add3A_501, %mul3A_499 : vector<16xi32>
      %scan3A_503 = arith.constant 0 : i32
      %scan3A_504 = arith.constant 0 : i32
      %scan3A_505 = arith.constant 50 : i32
      %scan3A_506 = arith.addi %scan3A_504, %scan3A_505 : i32
      %scan3A_507 = arith.constant 1 : i32
      %scan3A_508 = scf.for %scan3A_511 = %scan3A_504 to %scan3A_506 step %scan3A_507 iter_args(%scan3A_512 = %scan3A_503) -> (i32)  : i32 {
        %add3A_513 = vector.broadcast %scan3A_511 : i32 to vector<16xi32>
        %add3A_514 = arith.addi %add3A_513, %iota3A : vector<16xi32>
        %ge3A = arith.constant 50 : i32
        %ge3A_515 = vector.broadcast %ge3A : i32 to vector<16xi32>
        %ge3A_516 = arith.cmpi sge, %add3A_514, %ge3A_515 : vector<16xi32>
        %sub3A_517 = arith.constant 50 : i32
        %sub3A_518 = vector.broadcast %sub3A_517 : i32 to vector<16xi32>
        %sub3A_519 = arith.subi %add3A_514, %sub3A_518 : vector<16xi32>
        %select_n3A = arith.select %ge3A_516, %sub3A_519, %add3A_514 : vector<16xi1>, vector<16xi32>
        %gather3A = tpu.vector_load_idx %arg6[%add3A_485, %select_n3A] : memref<64x50xi32, #tpu.memory_space<vmem>>[vector<16xi32>, vector<16xi32>], vector<16xi32>,
        %gather3A_520 = tpu.vector_load_idx %arg8[%add3A_485, %select_n3A] : memref<64x50xf32, #tpu.memory_space<vmem>>[vector<16xi32>, vector<16xi32>], vector<16xf32>,
        %gather3A_521 = tpu.vector_load_idx %arg6[%add3A_488, %select_n3A] : memref<64x50xi32, #tpu.memory_space<vmem>>[vector<16xi32>, vector<16xi32>], vector<16xi32>,
        %gather3A_522 = tpu.vector_load_idx %arg8[%add3A_488, %select_n3A] : memref<64x50xf32, #tpu.memory_space<vmem>>[vector<16xi32>, vector<16xi32>], vector<16xf32>,
        %add3A_523 = arith.addi %add3A_494, %gather3A : vector<16xi32>
        tpu.vector_store_idx %arg9[%add3A_523], %gather3A_520 {add = true} : memref<32768xf32, #tpu.memory_space<vmem>>[vector<16xi32>], vector<16xf32>,
        %add3A_524 = arith.addi %add3A_502, %gather3A_521 : vector<16xi32>
        tpu.vector_store_idx %arg10[%add3A_524], %gather3A_522 {add = true} : memref<32768xf32, #tpu.memory_space<vmem>>[vector<16xi32>], vector<16xf32>,
        %scan3A_525 = arith.constant 0 : i32
        scf.yield %scan3A_525 : i32
      }
      %scan3A_509 = arith.constant 50 : i32
      %scan3A_510 = arith.constant 0 : i32
      scf.yield %scan3A_510 : i32
    }
    %scan3A_117 = arith.constant 2 : i32
    %dma_wait3A_118 = arith.constant 0 : i32
    %dma_wait3A_119 = tpu.memref_slice %arg2[%add3A_102, %dma_wait3A_118] : memref<16384x50xi32, #tpu.memory_space<hbm>> -> memref<64x50xi32, #tpu.memory_space<hbm>>
    %dma_wait3A_120 = arith.constant 0 : i32
    %dma_wait3A_121 = tpu.memref_slice %arg2[%add3A_102, %dma_wait3A_120] : memref<16384x50xi32, #tpu.memory_space<hbm>> -> memref<64x50xi32, #tpu.memory_space<hbm>>
    tpu.wait_dma2 semaphore(%arg11 : memref<!tpu.dma_semaphore, #tpu.memory_space<semaphore_mem>>) src(%dma_wait3A_121 : memref<64x50xi32, #tpu.memory_space<hbm>>) dst(%arg5 : memref<64x50xi32, #tpu.memory_space<vmem>>)
    %dma_wait3A_122 = arith.constant 0 : i32
    %dma_wait3A_123 = tpu.memref_slice %arg3[%add3A_102, %dma_wait3A_122] : memref<16384x50xf32, #tpu.memory_space<hbm>> -> memref<64x50xf32, #tpu.memory_space<hbm>>
    %dma_wait3A_124 = arith.constant 0 : i32
    %dma_wait3A_125 = tpu.memref_slice %arg3[%add3A_102, %dma_wait3A_124] : memref<16384x50xf32, #tpu.memory_space<hbm>> -> memref<64x50xf32, #tpu.memory_space<hbm>>
    tpu.wait_dma2 semaphore(%arg13 : memref<!tpu.dma_semaphore, #tpu.memory_space<semaphore_mem>>) src(%dma_wait3A_125 : memref<64x50xf32, #tpu.memory_space<hbm>>) dst(%arg7 : memref<64x50xf32, #tpu.memory_space<vmem>>)
    %add3A_126 = arith.constant 320 : i32
    %add3A_127 = arith.addi %mul3A_2, %add3A_126 : i32
    %dma_start3A_128 = arith.constant 0 : i32
    %dma_start3A_129 = tpu.memref_slice %arg2[%add3A_127, %dma_start3A_128] : memref<16384x50xi32, #tpu.memory_space<hbm>> -> memref<64x50xi32, #tpu.memory_space<hbm>>
    %dma_start3A_130 = arith.constant 0 : i32
    %dma_start3A_131 = tpu.memref_slice %arg2[%add3A_127, %dma_start3A_130] : memref<16384x50xi32, #tpu.memory_space<hbm>> -> memref<64x50xi32, #tpu.memory_space<hbm>>
    tpu.enqueue_dma source(%dma_start3A_131 : memref<64x50xi32, #tpu.memory_space<hbm>>) target(%arg6 : memref<64x50xi32, #tpu.memory_space<vmem>>) target_semaphore(%arg12 : memref<!tpu.dma_semaphore, #tpu.memory_space<semaphore_mem>>)
    %dma_start3A_132 = arith.constant 0 : i32
    %dma_start3A_133 = tpu.memref_slice %arg3[%add3A_127, %dma_start3A_132] : memref<16384x50xf32, #tpu.memory_space<hbm>> -> memref<64x50xf32, #tpu.memory_space<hbm>>
    %dma_start3A_134 = arith.constant 0 : i32
    %dma_start3A_135 = tpu.memref_slice %arg3[%add3A_127, %dma_start3A_134] : memref<16384x50xf32, #tpu.memory_space<hbm>> -> memref<64x50xf32, #tpu.memory_space<hbm>>
    tpu.enqueue_dma source(%dma_start3A_135 : memref<64x50xf32, #tpu.memory_space<hbm>>) target(%arg8 : memref<64x50xf32, #tpu.memory_space<vmem>>) target_semaphore(%arg14 : memref<!tpu.dma_semaphore, #tpu.memory_space<semaphore_mem>>)
    %scan3A_136 = arith.constant 0 : i32
    %scan3A_137 = arith.constant 0 : i32
    %scan3A_138 = arith.constant 2 : i32
    %scan3A_139 = arith.addi %scan3A_137, %scan3A_138 : i32
    %scan3A_140 = arith.constant 1 : i32
    %scan3A_141 = scf.for %scan3A_480 = %scan3A_137 to %scan3A_139 step %scan3A_140 iter_args(%scan3A_481 = %scan3A_136) -> (i32)  : i32 {
      %mul3A_482 = arith.constant 16 : i32
      %mul3A_483 = arith.muli %scan3A_480, %mul3A_482 : i32
      %add3A_484 = vector.broadcast %mul3A_483 : i32 to vector<16xi32>
      %add3A_485 = arith.addi %add3A_484, %iota3A : vector<16xi32>
      %add3A_486 = arith.constant 32 : i32
      %add3A_487 = vector.broadcast %add3A_486 : i32 to vector<16xi32>
      %add3A_488 = arith.addi %add3A_485, %add3A_487 : vector<16xi32>
      %mul3A_489 = arith.constant 128 : i32
      %mul3A_490 = vector.broadcast %mul3A_489 : i32 to vector<16xi32>
      %mul3A_491 = arith.muli %add3A_485, %mul3A_490 : vector<16xi32>
      %add3A_492 = arith.constant 16384 : i32
      %add3A_493 = vector.broadcast %add3A_492 : i32 to vector<16xi32>
      %add3A_494 = arith.addi %add3A_493, %mul3A_491 : vector<16xi32>
      %sub3A = arith.constant 32 : i32
      %sub3A_495 = vector.broadcast %sub3A : i32 to vector<16xi32>
      %sub3A_496 = arith.subi %add3A_488, %sub3A_495 : vector<16xi32>
      %mul3A_497 = arith.constant 128 : i32
      %mul3A_498 = vector.broadcast %mul3A_497 : i32 to vector<16xi32>
      %mul3A_499 = arith.muli %sub3A_496, %mul3A_498 : vector<16xi32>
      %add3A_500 = arith.constant 16384 : i32
      %add3A_501 = vector.broadcast %add3A_500 : i32 to vector<16xi32>
      %add3A_502 = arith.addi %add3A_501, %mul3A_499 : vector<16xi32>
      %scan3A_503 = arith.constant 0 : i32
      %scan3A_504 = arith.constant 0 : i32
      %scan3A_505 = arith.constant 50 : i32
      %scan3A_506 = arith.addi %scan3A_504, %scan3A_505 : i32
      %scan3A_507 = arith.constant 1 : i32
      %scan3A_508 = scf.for %scan3A_511 = %scan3A_504 to %scan3A_506 step %scan3A_507 iter_args(%scan3A_512 = %scan3A_503) -> (i32)  : i32 {
        %add3A_513 = vector.broadcast %scan3A_511 : i32 to vector<16xi32>
        %add3A_514 = arith.addi %add3A_513, %iota3A : vector<16xi32>
        %ge3A = arith.constant 50 : i32
        %ge3A_515 = vector.broadcast %ge3A : i32 to vector<16xi32>
        %ge3A_516 = arith.cmpi sge, %add3A_514, %ge3A_515 : vector<16xi32>
        %sub3A_517 = arith.constant 50 : i32
        %sub3A_518 = vector.broadcast %sub3A_517 : i32 to vector<16xi32>
        %sub3A_519 = arith.subi %add3A_514, %sub3A_518 : vector<16xi32>
        %select_n3A = arith.select %ge3A_516, %sub3A_519, %add3A_514 : vector<16xi1>, vector<16xi32>
        %gather3A = tpu.vector_load_idx %arg5[%add3A_485, %select_n3A] : memref<64x50xi32, #tpu.memory_space<vmem>>[vector<16xi32>, vector<16xi32>], vector<16xi32>,
        %gather3A_520 = tpu.vector_load_idx %arg7[%add3A_485, %select_n3A] : memref<64x50xf32, #tpu.memory_space<vmem>>[vector<16xi32>, vector<16xi32>], vector<16xf32>,
        %gather3A_521 = tpu.vector_load_idx %arg5[%add3A_488, %select_n3A] : memref<64x50xi32, #tpu.memory_space<vmem>>[vector<16xi32>, vector<16xi32>], vector<16xi32>,
        %gather3A_522 = tpu.vector_load_idx %arg7[%add3A_488, %select_n3A] : memref<64x50xf32, #tpu.memory_space<vmem>>[vector<16xi32>, vector<16xi32>], vector<16xf32>,
        %add3A_523 = arith.addi %add3A_494, %gather3A : vector<16xi32>
        tpu.vector_store_idx %arg9[%add3A_523], %gather3A_520 {add = true} : memref<32768xf32, #tpu.memory_space<vmem>>[vector<16xi32>], vector<16xf32>,
        %add3A_524 = arith.addi %add3A_502, %gather3A_521 : vector<16xi32>
        tpu.vector_store_idx %arg10[%add3A_524], %gather3A_522 {add = true} : memref<32768xf32, #tpu.memory_space<vmem>>[vector<16xi32>], vector<16xf32>,
        %scan3A_525 = arith.constant 0 : i32
        scf.yield %scan3A_525 : i32
      }
      %scan3A_509 = arith.constant 50 : i32
      %scan3A_510 = arith.constant 0 : i32
      scf.yield %scan3A_510 : i32
    }
    %scan3A_142 = arith.constant 2 : i32
    %dma_wait3A_143 = arith.constant 0 : i32
    %dma_wait3A_144 = tpu.memref_slice %arg2[%add3A_127, %dma_wait3A_143] : memref<16384x50xi32, #tpu.memory_space<hbm>> -> memref<64x50xi32, #tpu.memory_space<hbm>>
    %dma_wait3A_145 = arith.constant 0 : i32
    %dma_wait3A_146 = tpu.memref_slice %arg2[%add3A_127, %dma_wait3A_145] : memref<16384x50xi32, #tpu.memory_space<hbm>> -> memref<64x50xi32, #tpu.memory_space<hbm>>
    tpu.wait_dma2 semaphore(%arg12 : memref<!tpu.dma_semaphore, #tpu.memory_space<semaphore_mem>>) src(%dma_wait3A_146 : memref<64x50xi32, #tpu.memory_space<hbm>>) dst(%arg6 : memref<64x50xi32, #tpu.memory_space<vmem>>)
    %dma_wait3A_147 = arith.constant 0 : i32
    %dma_wait3A_148 = tpu.memref_slice %arg3[%add3A_127, %dma_wait3A_147] : memref<16384x50xf32, #tpu.memory_space<hbm>> -> memref<64x50xf32, #tpu.memory_space<hbm>>
    %dma_wait3A_149 = arith.constant 0 : i32
    %dma_wait3A_150 = tpu.memref_slice %arg3[%add3A_127, %dma_wait3A_149] : memref<16384x50xf32, #tpu.memory_space<hbm>> -> memref<64x50xf32, #tpu.memory_space<hbm>>
    tpu.wait_dma2 semaphore(%arg14 : memref<!tpu.dma_semaphore, #tpu.memory_space<semaphore_mem>>) src(%dma_wait3A_150 : memref<64x50xf32, #tpu.memory_space<hbm>>) dst(%arg8 : memref<64x50xf32, #tpu.memory_space<vmem>>)
    %add3A_151 = arith.constant 384 : i32
    %add3A_152 = arith.addi %mul3A_2, %add3A_151 : i32
    %dma_start3A_153 = arith.constant 0 : i32
    %dma_start3A_154 = tpu.memref_slice %arg2[%add3A_152, %dma_start3A_153] : memref<16384x50xi32, #tpu.memory_space<hbm>> -> memref<64x50xi32, #tpu.memory_space<hbm>>
    %dma_start3A_155 = arith.constant 0 : i32
    %dma_start3A_156 = tpu.memref_slice %arg2[%add3A_152, %dma_start3A_155] : memref<16384x50xi32, #tpu.memory_space<hbm>> -> memref<64x50xi32, #tpu.memory_space<hbm>>
    tpu.enqueue_dma source(%dma_start3A_156 : memref<64x50xi32, #tpu.memory_space<hbm>>) target(%arg5 : memref<64x50xi32, #tpu.memory_space<vmem>>) target_semaphore(%arg11 : memref<!tpu.dma_semaphore, #tpu.memory_space<semaphore_mem>>)
    %dma_start3A_157 = arith.constant 0 : i32
    %dma_start3A_158 = tpu.memref_slice %arg3[%add3A_152, %dma_start3A_157] : memref<16384x50xf32, #tpu.memory_space<hbm>> -> memref<64x50xf32, #tpu.memory_space<hbm>>
    %dma_start3A_159 = arith.constant 0 : i32
    %dma_start3A_160 = tpu.memref_slice %arg3[%add3A_152, %dma_start3A_159] : memref<16384x50xf32, #tpu.memory_space<hbm>> -> memref<64x50xf32, #tpu.memory_space<hbm>>
    tpu.enqueue_dma source(%dma_start3A_160 : memref<64x50xf32, #tpu.memory_space<hbm>>) target(%arg7 : memref<64x50xf32, #tpu.memory_space<vmem>>) target_semaphore(%arg13 : memref<!tpu.dma_semaphore, #tpu.memory_space<semaphore_mem>>)
    %scan3A_161 = arith.constant 0 : i32
    %scan3A_162 = arith.constant 0 : i32
    %scan3A_163 = arith.constant 2 : i32
    %scan3A_164 = arith.addi %scan3A_162, %scan3A_163 : i32
    %scan3A_165 = arith.constant 1 : i32
    %scan3A_166 = scf.for %scan3A_480 = %scan3A_162 to %scan3A_164 step %scan3A_165 iter_args(%scan3A_481 = %scan3A_161) -> (i32)  : i32 {
      %mul3A_482 = arith.constant 16 : i32
      %mul3A_483 = arith.muli %scan3A_480, %mul3A_482 : i32
      %add3A_484 = vector.broadcast %mul3A_483 : i32 to vector<16xi32>
      %add3A_485 = arith.addi %add3A_484, %iota3A : vector<16xi32>
      %add3A_486 = arith.constant 32 : i32
      %add3A_487 = vector.broadcast %add3A_486 : i32 to vector<16xi32>
      %add3A_488 = arith.addi %add3A_485, %add3A_487 : vector<16xi32>
      %mul3A_489 = arith.constant 128 : i32
      %mul3A_490 = vector.broadcast %mul3A_489 : i32 to vector<16xi32>
      %mul3A_491 = arith.muli %add3A_485, %mul3A_490 : vector<16xi32>
      %add3A_492 = arith.constant 20480 : i32
      %add3A_493 = vector.broadcast %add3A_492 : i32 to vector<16xi32>
      %add3A_494 = arith.addi %add3A_493, %mul3A_491 : vector<16xi32>
      %sub3A = arith.constant 32 : i32
      %sub3A_495 = vector.broadcast %sub3A : i32 to vector<16xi32>
      %sub3A_496 = arith.subi %add3A_488, %sub3A_495 : vector<16xi32>
      %mul3A_497 = arith.constant 128 : i32
      %mul3A_498 = vector.broadcast %mul3A_497 : i32 to vector<16xi32>
      %mul3A_499 = arith.muli %sub3A_496, %mul3A_498 : vector<16xi32>
      %add3A_500 = arith.constant 20480 : i32
      %add3A_501 = vector.broadcast %add3A_500 : i32 to vector<16xi32>
      %add3A_502 = arith.addi %add3A_501, %mul3A_499 : vector<16xi32>
      %scan3A_503 = arith.constant 0 : i32
      %scan3A_504 = arith.constant 0 : i32
      %scan3A_505 = arith.constant 50 : i32
      %scan3A_506 = arith.addi %scan3A_504, %scan3A_505 : i32
      %scan3A_507 = arith.constant 1 : i32
      %scan3A_508 = scf.for %scan3A_511 = %scan3A_504 to %scan3A_506 step %scan3A_507 iter_args(%scan3A_512 = %scan3A_503) -> (i32)  : i32 {
        %add3A_513 = vector.broadcast %scan3A_511 : i32 to vector<16xi32>
        %add3A_514 = arith.addi %add3A_513, %iota3A : vector<16xi32>
        %ge3A = arith.constant 50 : i32
        %ge3A_515 = vector.broadcast %ge3A : i32 to vector<16xi32>
        %ge3A_516 = arith.cmpi sge, %add3A_514, %ge3A_515 : vector<16xi32>
        %sub3A_517 = arith.constant 50 : i32
        %sub3A_518 = vector.broadcast %sub3A_517 : i32 to vector<16xi32>
        %sub3A_519 = arith.subi %add3A_514, %sub3A_518 : vector<16xi32>
        %select_n3A = arith.select %ge3A_516, %sub3A_519, %add3A_514 : vector<16xi1>, vector<16xi32>
        %gather3A = tpu.vector_load_idx %arg6[%add3A_485, %select_n3A] : memref<64x50xi32, #tpu.memory_space<vmem>>[vector<16xi32>, vector<16xi32>], vector<16xi32>,
        %gather3A_520 = tpu.vector_load_idx %arg8[%add3A_485, %select_n3A] : memref<64x50xf32, #tpu.memory_space<vmem>>[vector<16xi32>, vector<16xi32>], vector<16xf32>,
        %gather3A_521 = tpu.vector_load_idx %arg6[%add3A_488, %select_n3A] : memref<64x50xi32, #tpu.memory_space<vmem>>[vector<16xi32>, vector<16xi32>], vector<16xi32>,
        %gather3A_522 = tpu.vector_load_idx %arg8[%add3A_488, %select_n3A] : memref<64x50xf32, #tpu.memory_space<vmem>>[vector<16xi32>, vector<16xi32>], vector<16xf32>,
        %add3A_523 = arith.addi %add3A_494, %gather3A : vector<16xi32>
        tpu.vector_store_idx %arg9[%add3A_523], %gather3A_520 {add = true} : memref<32768xf32, #tpu.memory_space<vmem>>[vector<16xi32>], vector<16xf32>,
        %add3A_524 = arith.addi %add3A_502, %gather3A_521 : vector<16xi32>
        tpu.vector_store_idx %arg10[%add3A_524], %gather3A_522 {add = true} : memref<32768xf32, #tpu.memory_space<vmem>>[vector<16xi32>], vector<16xf32>,
        %scan3A_525 = arith.constant 0 : i32
        scf.yield %scan3A_525 : i32
      }
      %scan3A_509 = arith.constant 50 : i32
      %scan3A_510 = arith.constant 0 : i32
      scf.yield %scan3A_510 : i32
    }
    %scan3A_167 = arith.constant 2 : i32
    %dma_wait3A_168 = arith.constant 0 : i32
    %dma_wait3A_169 = tpu.memref_slice %arg2[%add3A_152, %dma_wait3A_168] : memref<16384x50xi32, #tpu.memory_space<hbm>> -> memref<64x50xi32, #tpu.memory_space<hbm>>
    %dma_wait3A_170 = arith.constant 0 : i32
    %dma_wait3A_171 = tpu.memref_slice %arg2[%add3A_152, %dma_wait3A_170] : memref<16384x50xi32, #tpu.memory_space<hbm>> -> memref<64x50xi32, #tpu.memory_space<hbm>>
    tpu.wait_dma2 semaphore(%arg11 : memref<!tpu.dma_semaphore, #tpu.memory_space<semaphore_mem>>) src(%dma_wait3A_171 : memref<64x50xi32, #tpu.memory_space<hbm>>) dst(%arg5 : memref<64x50xi32, #tpu.memory_space<vmem>>)
    %dma_wait3A_172 = arith.constant 0 : i32
    %dma_wait3A_173 = tpu.memref_slice %arg3[%add3A_152, %dma_wait3A_172] : memref<16384x50xf32, #tpu.memory_space<hbm>> -> memref<64x50xf32, #tpu.memory_space<hbm>>
    %dma_wait3A_174 = arith.constant 0 : i32
    %dma_wait3A_175 = tpu.memref_slice %arg3[%add3A_152, %dma_wait3A_174] : memref<16384x50xf32, #tpu.memory_space<hbm>> -> memref<64x50xf32, #tpu.memory_space<hbm>>
    tpu.wait_dma2 semaphore(%arg13 : memref<!tpu.dma_semaphore, #tpu.memory_space<semaphore_mem>>) src(%dma_wait3A_175 : memref<64x50xf32, #tpu.memory_space<hbm>>) dst(%arg7 : memref<64x50xf32, #tpu.memory_space<vmem>>)
    %add3A_176 = arith.constant 448 : i32
    %add3A_177 = arith.addi %mul3A_2, %add3A_176 : i32
    %dma_start3A_178 = arith.constant 0 : i32
    %dma_start3A_179 = tpu.memref_slice %arg2[%add3A_177, %dma_start3A_178] : memref<16384x50xi32, #tpu.memory_space<hbm>> -> memref<64x50xi32, #tpu.memory_space<hbm>>
    %dma_start3A_180 = arith.constant 0 : i32
    %dma_start3A_181 = tpu.memref_slice %arg2[%add3A_177, %dma_start3A_180] : memref<16384x50xi32, #tpu.memory_space<hbm>> -> memref<64x50xi32, #tpu.memory_space<hbm>>
    tpu.enqueue_dma source(%dma_start3A_181 : memref<64x50xi32, #tpu.memory_space<hbm>>) target(%arg6 : memref<64x50xi32, #tpu.memory_space<vmem>>) target_semaphore(%arg12 : memref<!tpu.dma_semaphore, #tpu.memory_space<semaphore_mem>>)
    %dma_start3A_182 = arith.constant 0 : i32
    %dma_start3A_183 = tpu.memref_slice %arg3[%add3A_177, %dma_start3A_182] : memref<16384x50xf32, #tpu.memory_space<hbm>> -> memref<64x50xf32, #tpu.memory_space<hbm>>
    %dma_start3A_184 = arith.constant 0 : i32
    %dma_start3A_185 = tpu.memref_slice %arg3[%add3A_177, %dma_start3A_184] : memref<16384x50xf32, #tpu.memory_space<hbm>> -> memref<64x50xf32, #tpu.memory_space<hbm>>
    tpu.enqueue_dma source(%dma_start3A_185 : memref<64x50xf32, #tpu.memory_space<hbm>>) target(%arg8 : memref<64x50xf32, #tpu.memory_space<vmem>>) target_semaphore(%arg14 : memref<!tpu.dma_semaphore, #tpu.memory_space<semaphore_mem>>)
    %scan3A_186 = arith.constant 0 : i32
    %scan3A_187 = arith.constant 0 : i32
    %scan3A_188 = arith.constant 2 : i32
    %scan3A_189 = arith.addi %scan3A_187, %scan3A_188 : i32
    %scan3A_190 = arith.constant 1 : i32
    %scan3A_191 = scf.for %scan3A_480 = %scan3A_187 to %scan3A_189 step %scan3A_190 iter_args(%scan3A_481 = %scan3A_186) -> (i32)  : i32 {
      %mul3A_482 = arith.constant 16 : i32
      %mul3A_483 = arith.muli %scan3A_480, %mul3A_482 : i32
      %add3A_484 = vector.broadcast %mul3A_483 : i32 to vector<16xi32>
      %add3A_485 = arith.addi %add3A_484, %iota3A : vector<16xi32>
      %add3A_486 = arith.constant 32 : i32
      %add3A_487 = vector.broadcast %add3A_486 : i32 to vector<16xi32>
      %add3A_488 = arith.addi %add3A_485, %add3A_487 : vector<16xi32>
      %mul3A_489 = arith.constant 128 : i32
      %mul3A_490 = vector.broadcast %mul3A_489 : i32 to vector<16xi32>
      %mul3A_491 = arith.muli %add3A_485, %mul3A_490 : vector<16xi32>
      %add3A_492 = arith.constant 24576 : i32
      %add3A_493 = vector.broadcast %add3A_492 : i32 to vector<16xi32>
      %add3A_494 = arith.addi %add3A_493, %mul3A_491 : vector<16xi32>
      %sub3A = arith.constant 32 : i32
      %sub3A_495 = vector.broadcast %sub3A : i32 to vector<16xi32>
      %sub3A_496 = arith.subi %add3A_488, %sub3A_495 : vector<16xi32>
      %mul3A_497 = arith.constant 128 : i32
      %mul3A_498 = vector.broadcast %mul3A_497 : i32 to vector<16xi32>
      %mul3A_499 = arith.muli %sub3A_496, %mul3A_498 : vector<16xi32>
      %add3A_500 = arith.constant 24576 : i32
      %add3A_501 = vector.broadcast %add3A_500 : i32 to vector<16xi32>
      %add3A_502 = arith.addi %add3A_501, %mul3A_499 : vector<16xi32>
      %scan3A_503 = arith.constant 0 : i32
      %scan3A_504 = arith.constant 0 : i32
      %scan3A_505 = arith.constant 50 : i32
      %scan3A_506 = arith.addi %scan3A_504, %scan3A_505 : i32
      %scan3A_507 = arith.constant 1 : i32
      %scan3A_508 = scf.for %scan3A_511 = %scan3A_504 to %scan3A_506 step %scan3A_507 iter_args(%scan3A_512 = %scan3A_503) -> (i32)  : i32 {
        %add3A_513 = vector.broadcast %scan3A_511 : i32 to vector<16xi32>
        %add3A_514 = arith.addi %add3A_513, %iota3A : vector<16xi32>
        %ge3A = arith.constant 50 : i32
        %ge3A_515 = vector.broadcast %ge3A : i32 to vector<16xi32>
        %ge3A_516 = arith.cmpi sge, %add3A_514, %ge3A_515 : vector<16xi32>
        %sub3A_517 = arith.constant 50 : i32
        %sub3A_518 = vector.broadcast %sub3A_517 : i32 to vector<16xi32>
        %sub3A_519 = arith.subi %add3A_514, %sub3A_518 : vector<16xi32>
        %select_n3A = arith.select %ge3A_516, %sub3A_519, %add3A_514 : vector<16xi1>, vector<16xi32>
        %gather3A = tpu.vector_load_idx %arg5[%add3A_485, %select_n3A] : memref<64x50xi32, #tpu.memory_space<vmem>>[vector<16xi32>, vector<16xi32>], vector<16xi32>,
        %gather3A_520 = tpu.vector_load_idx %arg7[%add3A_485, %select_n3A] : memref<64x50xf32, #tpu.memory_space<vmem>>[vector<16xi32>, vector<16xi32>], vector<16xf32>,
        %gather3A_521 = tpu.vector_load_idx %arg5[%add3A_488, %select_n3A] : memref<64x50xi32, #tpu.memory_space<vmem>>[vector<16xi32>, vector<16xi32>], vector<16xi32>,
        %gather3A_522 = tpu.vector_load_idx %arg7[%add3A_488, %select_n3A] : memref<64x50xf32, #tpu.memory_space<vmem>>[vector<16xi32>, vector<16xi32>], vector<16xf32>,
        %add3A_523 = arith.addi %add3A_494, %gather3A : vector<16xi32>
        tpu.vector_store_idx %arg9[%add3A_523], %gather3A_520 {add = true} : memref<32768xf32, #tpu.memory_space<vmem>>[vector<16xi32>], vector<16xf32>,
        %add3A_524 = arith.addi %add3A_502, %gather3A_521 : vector<16xi32>
        tpu.vector_store_idx %arg10[%add3A_524], %gather3A_522 {add = true} : memref<32768xf32, #tpu.memory_space<vmem>>[vector<16xi32>], vector<16xf32>,
        %scan3A_525 = arith.constant 0 : i32
        scf.yield %scan3A_525 : i32
      }
      %scan3A_509 = arith.constant 50 : i32
      %scan3A_510 = arith.constant 0 : i32
      scf.yield %scan3A_510 : i32
    }
    %scan3A_192 = arith.constant 2 : i32
    %dma_wait3A_193 = arith.constant 0 : i32
    %dma_wait3A_194 = tpu.memref_slice %arg2[%add3A_177, %dma_wait3A_193] : memref<16384x50xi32, #tpu.memory_space<hbm>> -> memref<64x50xi32, #tpu.memory_space<hbm>>
    %dma_wait3A_195 = arith.constant 0 : i32
    %dma_wait3A_196 = tpu.memref_slice %arg2[%add3A_177, %dma_wait3A_195] : memref<16384x50xi32, #tpu.memory_space<hbm>> -> memref<64x50xi32, #tpu.memory_space<hbm>>
    tpu.wait_dma2 semaphore(%arg12 : memref<!tpu.dma_semaphore, #tpu.memory_space<semaphore_mem>>) src(%dma_wait3A_196 : memref<64x50xi32, #tpu.memory_space<hbm>>) dst(%arg6 : memref<64x50xi32, #tpu.memory_space<vmem>>)
    %dma_wait3A_197 = arith.constant 0 : i32
    %dma_wait3A_198 = tpu.memref_slice %arg3[%add3A_177, %dma_wait3A_197] : memref<16384x50xf32, #tpu.memory_space<hbm>> -> memref<64x50xf32, #tpu.memory_space<hbm>>
    %dma_wait3A_199 = arith.constant 0 : i32
    %dma_wait3A_200 = tpu.memref_slice %arg3[%add3A_177, %dma_wait3A_199] : memref<16384x50xf32, #tpu.memory_space<hbm>> -> memref<64x50xf32, #tpu.memory_space<hbm>>
    tpu.wait_dma2 semaphore(%arg14 : memref<!tpu.dma_semaphore, #tpu.memory_space<semaphore_mem>>) src(%dma_wait3A_200 : memref<64x50xf32, #tpu.memory_space<hbm>>) dst(%arg8 : memref<64x50xf32, #tpu.memory_space<vmem>>)
    %scan3A_201 = arith.constant 0 : i32
    %scan3A_202 = arith.constant 0 : i32
    %scan3A_203 = arith.constant 2 : i32
    %scan3A_204 = arith.addi %scan3A_202, %scan3A_203 : i32
    %scan3A_205 = arith.constant 1 : i32
    %scan3A_206 = scf.for %scan3A_480 = %scan3A_202 to %scan3A_204 step %scan3A_205 iter_args(%scan3A_481 = %scan3A_201) -> (i32)  : i32 {
      %mul3A_482 = arith.constant 16 : i32
      %mul3A_483 = arith.muli %scan3A_480, %mul3A_482 : i32
      %add3A_484 = vector.broadcast %mul3A_483 : i32 to vector<16xi32>
      %add3A_485 = arith.addi %add3A_484, %iota3A : vector<16xi32>
      %add3A_486 = arith.constant 32 : i32
      %add3A_487 = vector.broadcast %add3A_486 : i32 to vector<16xi32>
      %add3A_488 = arith.addi %add3A_485, %add3A_487 : vector<16xi32>
      %mul3A_489 = arith.constant 128 : i32
      %mul3A_490 = vector.broadcast %mul3A_489 : i32 to vector<16xi32>
      %mul3A_491 = arith.muli %add3A_485, %mul3A_490 : vector<16xi32>
      %add3A_492 = arith.constant 28672 : i32
      %add3A_493 = vector.broadcast %add3A_492 : i32 to vector<16xi32>
      %add3A_494 = arith.addi %add3A_493, %mul3A_491 : vector<16xi32>
      %sub3A = arith.constant 32 : i32
      %sub3A_495 = vector.broadcast %sub3A : i32 to vector<16xi32>
      %sub3A_496 = arith.subi %add3A_488, %sub3A_495 : vector<16xi32>
      %mul3A_497 = arith.constant 128 : i32
      %mul3A_498 = vector.broadcast %mul3A_497 : i32 to vector<16xi32>
      %mul3A_499 = arith.muli %sub3A_496, %mul3A_498 : vector<16xi32>
      %add3A_500 = arith.constant 28672 : i32
      %add3A_501 = vector.broadcast %add3A_500 : i32 to vector<16xi32>
      %add3A_502 = arith.addi %add3A_501, %mul3A_499 : vector<16xi32>
      %scan3A_503 = arith.constant 0 : i32
      %scan3A_504 = arith.constant 0 : i32
      %scan3A_505 = arith.constant 50 : i32
      %scan3A_506 = arith.addi %scan3A_504, %scan3A_505 : i32
      %scan3A_507 = arith.constant 1 : i32
      %scan3A_508 = scf.for %scan3A_511 = %scan3A_504 to %scan3A_506 step %scan3A_507 iter_args(%scan3A_512 = %scan3A_503) -> (i32)  : i32 {
        %add3A_513 = vector.broadcast %scan3A_511 : i32 to vector<16xi32>
        %add3A_514 = arith.addi %add3A_513, %iota3A : vector<16xi32>
        %ge3A = arith.constant 50 : i32
        %ge3A_515 = vector.broadcast %ge3A : i32 to vector<16xi32>
        %ge3A_516 = arith.cmpi sge, %add3A_514, %ge3A_515 : vector<16xi32>
        %sub3A_517 = arith.constant 50 : i32
        %sub3A_518 = vector.broadcast %sub3A_517 : i32 to vector<16xi32>
        %sub3A_519 = arith.subi %add3A_514, %sub3A_518 : vector<16xi32>
        %select_n3A = arith.select %ge3A_516, %sub3A_519, %add3A_514 : vector<16xi1>, vector<16xi32>
        %gather3A = tpu.vector_load_idx %arg6[%add3A_485, %select_n3A] : memref<64x50xi32, #tpu.memory_space<vmem>>[vector<16xi32>, vector<16xi32>], vector<16xi32>,
        %gather3A_520 = tpu.vector_load_idx %arg8[%add3A_485, %select_n3A] : memref<64x50xf32, #tpu.memory_space<vmem>>[vector<16xi32>, vector<16xi32>], vector<16xf32>,
        %gather3A_521 = tpu.vector_load_idx %arg6[%add3A_488, %select_n3A] : memref<64x50xi32, #tpu.memory_space<vmem>>[vector<16xi32>, vector<16xi32>], vector<16xi32>,
        %gather3A_522 = tpu.vector_load_idx %arg8[%add3A_488, %select_n3A] : memref<64x50xf32, #tpu.memory_space<vmem>>[vector<16xi32>, vector<16xi32>], vector<16xf32>,
        %add3A_523 = arith.addi %add3A_494, %gather3A : vector<16xi32>
        tpu.vector_store_idx %arg9[%add3A_523], %gather3A_520 {add = true} : memref<32768xf32, #tpu.memory_space<vmem>>[vector<16xi32>], vector<16xf32>,
        %add3A_524 = arith.addi %add3A_502, %gather3A_521 : vector<16xi32>
        tpu.vector_store_idx %arg10[%add3A_524], %gather3A_522 {add = true} : memref<32768xf32, #tpu.memory_space<vmem>>[vector<16xi32>], vector<16xf32>,
        %scan3A_525 = arith.constant 0 : i32
        scf.yield %scan3A_525 : i32
      }
      %scan3A_509 = arith.constant 50 : i32
      %scan3A_510 = arith.constant 0 : i32
      scf.yield %scan3A_510 : i32
    }
    %scan3A_207 = arith.constant 2 : i32
    %add3A_208 = arith.constant 0 : i32
    %add3A_209 = arith.addi %mul3A_2, %add3A_208 : i32
    %mul3A_210 = arith.constant 128 : i32
    %mul3A_211 = arith.muli %add3A_209, %mul3A_210 : i32
    %dma_start3A_212 = arith.constant 0 : i32
    %dma_start3A_213 = tpu.memref_slice %arg9[%dma_start3A_212] : memref<32768xf32, #tpu.memory_space<vmem>> -> memref<4096xf32, #tpu.memory_space<vmem>>
    %dma_start3A_214 = tpu.memref_slice %arg4[%mul3A_211] : memref<2097152xf32, #tpu.memory_space<hbm>> -> memref<4096xf32, #tpu.memory_space<hbm>>
    %dma_start3A_215 = tpu.memref_slice %arg4[%mul3A_211] : memref<2097152xf32, #tpu.memory_space<hbm>> -> memref<4096xf32, #tpu.memory_space<hbm>>
    %dma_start3A_216 = arith.constant 0 : i32
    %dma_start3A_217 = tpu.memref_slice %arg9[%dma_start3A_216] : memref<32768xf32, #tpu.memory_space<vmem>> -> memref<4096xf32, #tpu.memory_space<vmem>>
    tpu.enqueue_dma source(%dma_start3A_217 : memref<4096xf32, #tpu.memory_space<vmem>>) target(%dma_start3A_215 : memref<4096xf32, #tpu.memory_space<hbm>>) target_semaphore(%arg15 : memref<!tpu.dma_semaphore, #tpu.memory_space<semaphore_mem>>)
    %add3A_218 = arith.constant 0 : i32
    %add3A_219 = arith.addi %mul3A_2, %add3A_218 : i32
    %add3A_220 = arith.constant 32 : i32
    %add3A_221 = arith.addi %add3A_219, %add3A_220 : i32
    %mul3A_222 = arith.constant 128 : i32
    %mul3A_223 = arith.muli %add3A_221, %mul3A_222 : i32
    %dma_start3A_224 = arith.constant 0 : i32
    %dma_start3A_225 = tpu.memref_slice %arg10[%dma_start3A_224] : memref<32768xf32, #tpu.memory_space<vmem>> -> memref<4096xf32, #tpu.memory_space<vmem>>
    %dma_start3A_226 = tpu.memref_slice %arg4[%mul3A_223] : memref<2097152xf32, #tpu.memory_space<hbm>> -> memref<4096xf32, #tpu.memory_space<hbm>>
    %dma_start3A_227 = tpu.memref_slice %arg4[%mul3A_223] : memref<2097152xf32, #tpu.memory_space<hbm>> -> memref<4096xf32, #tpu.memory_space<hbm>>
    %dma_start3A_228 = arith.constant 0 : i32
    %dma_start3A_229 = tpu.memref_slice %arg10[%dma_start3A_228] : memref<32768xf32, #tpu.memory_space<vmem>> -> memref<4096xf32, #tpu.memory_space<vmem>>
    tpu.enqueue_dma source(%dma_start3A_229 : memref<4096xf32, #tpu.memory_space<vmem>>) target(%dma_start3A_227 : memref<4096xf32, #tpu.memory_space<hbm>>) target_semaphore(%arg15 : memref<!tpu.dma_semaphore, #tpu.memory_space<semaphore_mem>>)
    %add3A_230 = arith.constant 64 : i32
    %add3A_231 = arith.addi %mul3A_2, %add3A_230 : i32
    %mul3A_232 = arith.constant 128 : i32
    %mul3A_233 = arith.muli %add3A_231, %mul3A_232 : i32
    %dma_start3A_234 = arith.constant 4096 : i32
    %dma_start3A_235 = tpu.memref_slice %arg9[%dma_start3A_234] : memref<32768xf32, #tpu.memory_space<vmem>> -> memref<4096xf32, #tpu.memory_space<vmem>>
    %dma_start3A_236 = tpu.memref_slice %arg4[%mul3A_233] : memref<2097152xf32, #tpu.memory_space<hbm>> -> memref<4096xf32, #tpu.memory_space<hbm>>
    %dma_start3A_237 = tpu.memref_slice %arg4[%mul3A_233] : memref<2097152xf32, #tpu.memory_space<hbm>> -> memref<4096xf32, #tpu.memory_space<hbm>>
    %dma_start3A_238 = arith.constant 4096 : i32
    %dma_start3A_239 = tpu.memref_slice %arg9[%dma_start3A_238] : memref<32768xf32, #tpu.memory_space<vmem>> -> memref<4096xf32, #tpu.memory_space<vmem>>
    tpu.enqueue_dma source(%dma_start3A_239 : memref<4096xf32, #tpu.memory_space<vmem>>) target(%dma_start3A_237 : memref<4096xf32, #tpu.memory_space<hbm>>) target_semaphore(%arg15 : memref<!tpu.dma_semaphore, #tpu.memory_space<semaphore_mem>>)
    %add3A_240 = arith.constant 64 : i32
    %add3A_241 = arith.addi %mul3A_2, %add3A_240 : i32
    %add3A_242 = arith.constant 32 : i32
    %add3A_243 = arith.addi %add3A_241, %add3A_242 : i32
    %mul3A_244 = arith.constant 128 : i32
    %mul3A_245 = arith.muli %add3A_243, %mul3A_244 : i32
    %dma_start3A_246 = arith.constant 4096 : i32
    %dma_start3A_247 = tpu.memref_slice %arg10[%dma_start3A_246] : memref<32768xf32, #tpu.memory_space<vmem>> -> memref<4096xf32, #tpu.memory_space<vmem>>
    %dma_start3A_248 = tpu.memref_slice %arg4[%mul3A_245] : memref<2097152xf32, #tpu.memory_space<hbm>> -> memref<4096xf32, #tpu.memory_space<hbm>>
    %dma_start3A_249 = tpu.memref_slice %arg4[%mul3A_245] : memref<2097152xf32, #tpu.memory_space<hbm>> -> memref<4096xf32, #tpu.memory_space<hbm>>
    %dma_start3A_250 = arith.constant 4096 : i32
    %dma_start3A_251 = tpu.memref_slice %arg10[%dma_start3A_250] : memref<32768xf32, #tpu.memory_space<vmem>> -> memref<4096xf32, #tpu.memory_space<vmem>>
    tpu.enqueue_dma source(%dma_start3A_251 : memref<4096xf32, #tpu.memory_space<vmem>>) target(%dma_start3A_249 : memref<4096xf32, #tpu.memory_space<hbm>>) target_semaphore(%arg15 : memref<!tpu.dma_semaphore, #tpu.memory_space<semaphore_mem>>)
    %add3A_252 = arith.constant 128 : i32
    %add3A_253 = arith.addi %mul3A_2, %add3A_252 : i32
    %mul3A_254 = arith.constant 128 : i32
    %mul3A_255 = arith.muli %add3A_253, %mul3A_254 : i32
    %dma_start3A_256 = arith.constant 8192 : i32
    %dma_start3A_257 = tpu.memref_slice %arg9[%dma_start3A_256] : memref<32768xf32, #tpu.memory_space<vmem>> -> memref<4096xf32, #tpu.memory_space<vmem>>
    %dma_start3A_258 = tpu.memref_slice %arg4[%mul3A_255] : memref<2097152xf32, #tpu.memory_space<hbm>> -> memref<4096xf32, #tpu.memory_space<hbm>>
    %dma_start3A_259 = tpu.memref_slice %arg4[%mul3A_255] : memref<2097152xf32, #tpu.memory_space<hbm>> -> memref<4096xf32, #tpu.memory_space<hbm>>
    %dma_start3A_260 = arith.constant 8192 : i32
    %dma_start3A_261 = tpu.memref_slice %arg9[%dma_start3A_260] : memref<32768xf32, #tpu.memory_space<vmem>> -> memref<4096xf32, #tpu.memory_space<vmem>>
    tpu.enqueue_dma source(%dma_start3A_261 : memref<4096xf32, #tpu.memory_space<vmem>>) target(%dma_start3A_259 : memref<4096xf32, #tpu.memory_space<hbm>>) target_semaphore(%arg15 : memref<!tpu.dma_semaphore, #tpu.memory_space<semaphore_mem>>)
    %add3A_262 = arith.constant 128 : i32
    %add3A_263 = arith.addi %mul3A_2, %add3A_262 : i32
    %add3A_264 = arith.constant 32 : i32
    %add3A_265 = arith.addi %add3A_263, %add3A_264 : i32
    %mul3A_266 = arith.constant 128 : i32
    %mul3A_267 = arith.muli %add3A_265, %mul3A_266 : i32
    %dma_start3A_268 = arith.constant 8192 : i32
    %dma_start3A_269 = tpu.memref_slice %arg10[%dma_start3A_268] : memref<32768xf32, #tpu.memory_space<vmem>> -> memref<4096xf32, #tpu.memory_space<vmem>>
    %dma_start3A_270 = tpu.memref_slice %arg4[%mul3A_267] : memref<2097152xf32, #tpu.memory_space<hbm>> -> memref<4096xf32, #tpu.memory_space<hbm>>
    %dma_start3A_271 = tpu.memref_slice %arg4[%mul3A_267] : memref<2097152xf32, #tpu.memory_space<hbm>> -> memref<4096xf32, #tpu.memory_space<hbm>>
    %dma_start3A_272 = arith.constant 8192 : i32
    %dma_start3A_273 = tpu.memref_slice %arg10[%dma_start3A_272] : memref<32768xf32, #tpu.memory_space<vmem>> -> memref<4096xf32, #tpu.memory_space<vmem>>
    tpu.enqueue_dma source(%dma_start3A_273 : memref<4096xf32, #tpu.memory_space<vmem>>) target(%dma_start3A_271 : memref<4096xf32, #tpu.memory_space<hbm>>) target_semaphore(%arg15 : memref<!tpu.dma_semaphore, #tpu.memory_space<semaphore_mem>>)
    %add3A_274 = arith.constant 192 : i32
    %add3A_275 = arith.addi %mul3A_2, %add3A_274 : i32
    %mul3A_276 = arith.constant 128 : i32
    %mul3A_277 = arith.muli %add3A_275, %mul3A_276 : i32
    %dma_start3A_278 = arith.constant 12288 : i32
    %dma_start3A_279 = tpu.memref_slice %arg9[%dma_start3A_278] : memref<32768xf32, #tpu.memory_space<vmem>> -> memref<4096xf32, #tpu.memory_space<vmem>>
    %dma_start3A_280 = tpu.memref_slice %arg4[%mul3A_277] : memref<2097152xf32, #tpu.memory_space<hbm>> -> memref<4096xf32, #tpu.memory_space<hbm>>
    %dma_start3A_281 = tpu.memref_slice %arg4[%mul3A_277] : memref<2097152xf32, #tpu.memory_space<hbm>> -> memref<4096xf32, #tpu.memory_space<hbm>>
    %dma_start3A_282 = arith.constant 12288 : i32
    %dma_start3A_283 = tpu.memref_slice %arg9[%dma_start3A_282] : memref<32768xf32, #tpu.memory_space<vmem>> -> memref<4096xf32, #tpu.memory_space<vmem>>
    tpu.enqueue_dma source(%dma_start3A_283 : memref<4096xf32, #tpu.memory_space<vmem>>) target(%dma_start3A_281 : memref<4096xf32, #tpu.memory_space<hbm>>) target_semaphore(%arg15 : memref<!tpu.dma_semaphore, #tpu.memory_space<semaphore_mem>>)
    %add3A_284 = arith.constant 192 : i32
    %add3A_285 = arith.addi %mul3A_2, %add3A_284 : i32
    %add3A_286 = arith.constant 32 : i32
    %add3A_287 = arith.addi %add3A_285, %add3A_286 : i32
    %mul3A_288 = arith.constant 128 : i32
    %mul3A_289 = arith.muli %add3A_287, %mul3A_288 : i32
    %dma_start3A_290 = arith.constant 12288 : i32
    %dma_start3A_291 = tpu.memref_slice %arg10[%dma_start3A_290] : memref<32768xf32, #tpu.memory_space<vmem>> -> memref<4096xf32, #tpu.memory_space<vmem>>
    %dma_start3A_292 = tpu.memref_slice %arg4[%mul3A_289] : memref<2097152xf32, #tpu.memory_space<hbm>> -> memref<4096xf32, #tpu.memory_space<hbm>>
    %dma_start3A_293 = tpu.memref_slice %arg4[%mul3A_289] : memref<2097152xf32, #tpu.memory_space<hbm>> -> memref<4096xf32, #tpu.memory_space<hbm>>
    %dma_start3A_294 = arith.constant 12288 : i32
    %dma_start3A_295 = tpu.memref_slice %arg10[%dma_start3A_294] : memref<32768xf32, #tpu.memory_space<vmem>> -> memref<4096xf32, #tpu.memory_space<vmem>>
    tpu.enqueue_dma source(%dma_start3A_295 : memref<4096xf32, #tpu.memory_space<vmem>>) target(%dma_start3A_293 : memref<4096xf32, #tpu.memory_space<hbm>>) target_semaphore(%arg15 : memref<!tpu.dma_semaphore, #tpu.memory_space<semaphore_mem>>)
    %add3A_296 = arith.constant 256 : i32
    %add3A_297 = arith.addi %mul3A_2, %add3A_296 : i32
    %mul3A_298 = arith.constant 128 : i32
    %mul3A_299 = arith.muli %add3A_297, %mul3A_298 : i32
    %dma_start3A_300 = arith.constant 16384 : i32
    %dma_start3A_301 = tpu.memref_slice %arg9[%dma_start3A_300] : memref<32768xf32, #tpu.memory_space<vmem>> -> memref<4096xf32, #tpu.memory_space<vmem>>
    %dma_start3A_302 = tpu.memref_slice %arg4[%mul3A_299] : memref<2097152xf32, #tpu.memory_space<hbm>> -> memref<4096xf32, #tpu.memory_space<hbm>>
    %dma_start3A_303 = tpu.memref_slice %arg4[%mul3A_299] : memref<2097152xf32, #tpu.memory_space<hbm>> -> memref<4096xf32, #tpu.memory_space<hbm>>
    %dma_start3A_304 = arith.constant 16384 : i32
    %dma_start3A_305 = tpu.memref_slice %arg9[%dma_start3A_304] : memref<32768xf32, #tpu.memory_space<vmem>> -> memref<4096xf32, #tpu.memory_space<vmem>>
    tpu.enqueue_dma source(%dma_start3A_305 : memref<4096xf32, #tpu.memory_space<vmem>>) target(%dma_start3A_303 : memref<4096xf32, #tpu.memory_space<hbm>>) target_semaphore(%arg15 : memref<!tpu.dma_semaphore, #tpu.memory_space<semaphore_mem>>)
    %add3A_306 = arith.constant 256 : i32
    %add3A_307 = arith.addi %mul3A_2, %add3A_306 : i32
    %add3A_308 = arith.constant 32 : i32
    %add3A_309 = arith.addi %add3A_307, %add3A_308 : i32
    %mul3A_310 = arith.constant 128 : i32
    %mul3A_311 = arith.muli %add3A_309, %mul3A_310 : i32
    %dma_start3A_312 = arith.constant 16384 : i32
    %dma_start3A_313 = tpu.memref_slice %arg10[%dma_start3A_312] : memref<32768xf32, #tpu.memory_space<vmem>> -> memref<4096xf32, #tpu.memory_space<vmem>>
    %dma_start3A_314 = tpu.memref_slice %arg4[%mul3A_311] : memref<2097152xf32, #tpu.memory_space<hbm>> -> memref<4096xf32, #tpu.memory_space<hbm>>
    %dma_start3A_315 = tpu.memref_slice %arg4[%mul3A_311] : memref<2097152xf32, #tpu.memory_space<hbm>> -> memref<4096xf32, #tpu.memory_space<hbm>>
    %dma_start3A_316 = arith.constant 16384 : i32
    %dma_start3A_317 = tpu.memref_slice %arg10[%dma_start3A_316] : memref<32768xf32, #tpu.memory_space<vmem>> -> memref<4096xf32, #tpu.memory_space<vmem>>
    tpu.enqueue_dma source(%dma_start3A_317 : memref<4096xf32, #tpu.memory_space<vmem>>) target(%dma_start3A_315 : memref<4096xf32, #tpu.memory_space<hbm>>) target_semaphore(%arg15 : memref<!tpu.dma_semaphore, #tpu.memory_space<semaphore_mem>>)
    %add3A_318 = arith.constant 320 : i32
    %add3A_319 = arith.addi %mul3A_2, %add3A_318 : i32
    %mul3A_320 = arith.constant 128 : i32
    %mul3A_321 = arith.muli %add3A_319, %mul3A_320 : i32
    %dma_start3A_322 = arith.constant 20480 : i32
    %dma_start3A_323 = tpu.memref_slice %arg9[%dma_start3A_322] : memref<32768xf32, #tpu.memory_space<vmem>> -> memref<4096xf32, #tpu.memory_space<vmem>>
    %dma_start3A_324 = tpu.memref_slice %arg4[%mul3A_321] : memref<2097152xf32, #tpu.memory_space<hbm>> -> memref<4096xf32, #tpu.memory_space<hbm>>
    %dma_start3A_325 = tpu.memref_slice %arg4[%mul3A_321] : memref<2097152xf32, #tpu.memory_space<hbm>> -> memref<4096xf32, #tpu.memory_space<hbm>>
    %dma_start3A_326 = arith.constant 20480 : i32
    %dma_start3A_327 = tpu.memref_slice %arg9[%dma_start3A_326] : memref<32768xf32, #tpu.memory_space<vmem>> -> memref<4096xf32, #tpu.memory_space<vmem>>
    tpu.enqueue_dma source(%dma_start3A_327 : memref<4096xf32, #tpu.memory_space<vmem>>) target(%dma_start3A_325 : memref<4096xf32, #tpu.memory_space<hbm>>) target_semaphore(%arg15 : memref<!tpu.dma_semaphore, #tpu.memory_space<semaphore_mem>>)
    %add3A_328 = arith.constant 320 : i32
    %add3A_329 = arith.addi %mul3A_2, %add3A_328 : i32
    %add3A_330 = arith.constant 32 : i32
    %add3A_331 = arith.addi %add3A_329, %add3A_330 : i32
    %mul3A_332 = arith.constant 128 : i32
    %mul3A_333 = arith.muli %add3A_331, %mul3A_332 : i32
    %dma_start3A_334 = arith.constant 20480 : i32
    %dma_start3A_335 = tpu.memref_slice %arg10[%dma_start3A_334] : memref<32768xf32, #tpu.memory_space<vmem>> -> memref<4096xf32, #tpu.memory_space<vmem>>
    %dma_start3A_336 = tpu.memref_slice %arg4[%mul3A_333] : memref<2097152xf32, #tpu.memory_space<hbm>> -> memref<4096xf32, #tpu.memory_space<hbm>>
    %dma_start3A_337 = tpu.memref_slice %arg4[%mul3A_333] : memref<2097152xf32, #tpu.memory_space<hbm>> -> memref<4096xf32, #tpu.memory_space<hbm>>
    %dma_start3A_338 = arith.constant 20480 : i32
    %dma_start3A_339 = tpu.memref_slice %arg10[%dma_start3A_338] : memref<32768xf32, #tpu.memory_space<vmem>> -> memref<4096xf32, #tpu.memory_space<vmem>>
    tpu.enqueue_dma source(%dma_start3A_339 : memref<4096xf32, #tpu.memory_space<vmem>>) target(%dma_start3A_337 : memref<4096xf32, #tpu.memory_space<hbm>>) target_semaphore(%arg15 : memref<!tpu.dma_semaphore, #tpu.memory_space<semaphore_mem>>)
    %add3A_340 = arith.constant 384 : i32
    %add3A_341 = arith.addi %mul3A_2, %add3A_340 : i32
    %mul3A_342 = arith.constant 128 : i32
    %mul3A_343 = arith.muli %add3A_341, %mul3A_342 : i32
    %dma_start3A_344 = arith.constant 24576 : i32
    %dma_start3A_345 = tpu.memref_slice %arg9[%dma_start3A_344] : memref<32768xf32, #tpu.memory_space<vmem>> -> memref<4096xf32, #tpu.memory_space<vmem>>
    %dma_start3A_346 = tpu.memref_slice %arg4[%mul3A_343] : memref<2097152xf32, #tpu.memory_space<hbm>> -> memref<4096xf32, #tpu.memory_space<hbm>>
    %dma_start3A_347 = tpu.memref_slice %arg4[%mul3A_343] : memref<2097152xf32, #tpu.memory_space<hbm>> -> memref<4096xf32, #tpu.memory_space<hbm>>
    %dma_start3A_348 = arith.constant 24576 : i32
    %dma_start3A_349 = tpu.memref_slice %arg9[%dma_start3A_348] : memref<32768xf32, #tpu.memory_space<vmem>> -> memref<4096xf32, #tpu.memory_space<vmem>>
    tpu.enqueue_dma source(%dma_start3A_349 : memref<4096xf32, #tpu.memory_space<vmem>>) target(%dma_start3A_347 : memref<4096xf32, #tpu.memory_space<hbm>>) target_semaphore(%arg15 : memref<!tpu.dma_semaphore, #tpu.memory_space<semaphore_mem>>)
    %add3A_350 = arith.constant 384 : i32
    %add3A_351 = arith.addi %mul3A_2, %add3A_350 : i32
    %add3A_352 = arith.constant 32 : i32
    %add3A_353 = arith.addi %add3A_351, %add3A_352 : i32
    %mul3A_354 = arith.constant 128 : i32
    %mul3A_355 = arith.muli %add3A_353, %mul3A_354 : i32
    %dma_start3A_356 = arith.constant 24576 : i32
    %dma_start3A_357 = tpu.memref_slice %arg10[%dma_start3A_356] : memref<32768xf32, #tpu.memory_space<vmem>> -> memref<4096xf32, #tpu.memory_space<vmem>>
    %dma_start3A_358 = tpu.memref_slice %arg4[%mul3A_355] : memref<2097152xf32, #tpu.memory_space<hbm>> -> memref<4096xf32, #tpu.memory_space<hbm>>
    %dma_start3A_359 = tpu.memref_slice %arg4[%mul3A_355] : memref<2097152xf32, #tpu.memory_space<hbm>> -> memref<4096xf32, #tpu.memory_space<hbm>>
    %dma_start3A_360 = arith.constant 24576 : i32
    %dma_start3A_361 = tpu.memref_slice %arg10[%dma_start3A_360] : memref<32768xf32, #tpu.memory_space<vmem>> -> memref<4096xf32, #tpu.memory_space<vmem>>
    tpu.enqueue_dma source(%dma_start3A_361 : memref<4096xf32, #tpu.memory_space<vmem>>) target(%dma_start3A_359 : memref<4096xf32, #tpu.memory_space<hbm>>) target_semaphore(%arg15 : memref<!tpu.dma_semaphore, #tpu.memory_space<semaphore_mem>>)
    %add3A_362 = arith.constant 448 : i32
    %add3A_363 = arith.addi %mul3A_2, %add3A_362 : i32
    %mul3A_364 = arith.constant 128 : i32
    %mul3A_365 = arith.muli %add3A_363, %mul3A_364 : i32
    %dma_start3A_366 = arith.constant 28672 : i32
    %dma_start3A_367 = tpu.memref_slice %arg9[%dma_start3A_366] : memref<32768xf32, #tpu.memory_space<vmem>> -> memref<4096xf32, #tpu.memory_space<vmem>>
    %dma_start3A_368 = tpu.memref_slice %arg4[%mul3A_365] : memref<2097152xf32, #tpu.memory_space<hbm>> -> memref<4096xf32, #tpu.memory_space<hbm>>
    %dma_start3A_369 = tpu.memref_slice %arg4[%mul3A_365] : memref<2097152xf32, #tpu.memory_space<hbm>> -> memref<4096xf32, #tpu.memory_space<hbm>>
    %dma_start3A_370 = arith.constant 28672 : i32
    %dma_start3A_371 = tpu.memref_slice %arg9[%dma_start3A_370] : memref<32768xf32, #tpu.memory_space<vmem>> -> memref<4096xf32, #tpu.memory_space<vmem>>
    tpu.enqueue_dma source(%dma_start3A_371 : memref<4096xf32, #tpu.memory_space<vmem>>) target(%dma_start3A_369 : memref<4096xf32, #tpu.memory_space<hbm>>) target_semaphore(%arg15 : memref<!tpu.dma_semaphore, #tpu.memory_space<semaphore_mem>>)
    %add3A_372 = arith.constant 448 : i32
    %add3A_373 = arith.addi %mul3A_2, %add3A_372 : i32
    %add3A_374 = arith.constant 32 : i32
    %add3A_375 = arith.addi %add3A_373, %add3A_374 : i32
    %mul3A_376 = arith.constant 128 : i32
    %mul3A_377 = arith.muli %add3A_375, %mul3A_376 : i32
    %dma_start3A_378 = arith.constant 28672 : i32
    %dma_start3A_379 = tpu.memref_slice %arg10[%dma_start3A_378] : memref<32768xf32, #tpu.memory_space<vmem>> -> memref<4096xf32, #tpu.memory_space<vmem>>
    %dma_start3A_380 = tpu.memref_slice %arg4[%mul3A_377] : memref<2097152xf32, #tpu.memory_space<hbm>> -> memref<4096xf32, #tpu.memory_space<hbm>>
    %dma_start3A_381 = tpu.memref_slice %arg4[%mul3A_377] : memref<2097152xf32, #tpu.memory_space<hbm>> -> memref<4096xf32, #tpu.memory_space<hbm>>
    %dma_start3A_382 = arith.constant 28672 : i32
    %dma_start3A_383 = tpu.memref_slice %arg10[%dma_start3A_382] : memref<32768xf32, #tpu.memory_space<vmem>> -> memref<4096xf32, #tpu.memory_space<vmem>>
    tpu.enqueue_dma source(%dma_start3A_383 : memref<4096xf32, #tpu.memory_space<vmem>>) target(%dma_start3A_381 : memref<4096xf32, #tpu.memory_space<hbm>>) target_semaphore(%arg15 : memref<!tpu.dma_semaphore, #tpu.memory_space<semaphore_mem>>)
    %dma_wait3A_384 = arith.constant 0 : i32
    %dma_wait3A_385 = tpu.memref_slice %arg9[%dma_wait3A_384] : memref<32768xf32, #tpu.memory_space<vmem>> -> memref<4096xf32, #tpu.memory_space<vmem>>
    %dma_wait3A_386 = tpu.memref_slice %arg4[%mul3A_211] : memref<2097152xf32, #tpu.memory_space<hbm>> -> memref<4096xf32, #tpu.memory_space<hbm>>
    %dma_wait3A_387 = tpu.memref_slice %arg4[%mul3A_211] : memref<2097152xf32, #tpu.memory_space<hbm>> -> memref<4096xf32, #tpu.memory_space<hbm>>
    %dma_wait3A_388 = arith.constant 0 : i32
    %dma_wait3A_389 = tpu.memref_slice %arg9[%dma_wait3A_388] : memref<32768xf32, #tpu.memory_space<vmem>> -> memref<4096xf32, #tpu.memory_space<vmem>>
    tpu.wait_dma2 semaphore(%arg15 : memref<!tpu.dma_semaphore, #tpu.memory_space<semaphore_mem>>) src(%dma_wait3A_389 : memref<4096xf32, #tpu.memory_space<vmem>>) dst(%dma_wait3A_387 : memref<4096xf32, #tpu.memory_space<hbm>>)
    %dma_wait3A_390 = arith.constant 0 : i32
    %dma_wait3A_391 = tpu.memref_slice %arg10[%dma_wait3A_390] : memref<32768xf32, #tpu.memory_space<vmem>> -> memref<4096xf32, #tpu.memory_space<vmem>>
    %dma_wait3A_392 = tpu.memref_slice %arg4[%mul3A_223] : memref<2097152xf32, #tpu.memory_space<hbm>> -> memref<4096xf32, #tpu.memory_space<hbm>>
    %dma_wait3A_393 = tpu.memref_slice %arg4[%mul3A_223] : memref<2097152xf32, #tpu.memory_space<hbm>> -> memref<4096xf32, #tpu.memory_space<hbm>>
    %dma_wait3A_394 = arith.constant 0 : i32
    %dma_wait3A_395 = tpu.memref_slice %arg10[%dma_wait3A_394] : memref<32768xf32, #tpu.memory_space<vmem>> -> memref<4096xf32, #tpu.memory_space<vmem>>
    tpu.wait_dma2 semaphore(%arg15 : memref<!tpu.dma_semaphore, #tpu.memory_space<semaphore_mem>>) src(%dma_wait3A_395 : memref<4096xf32, #tpu.memory_space<vmem>>) dst(%dma_wait3A_393 : memref<4096xf32, #tpu.memory_space<hbm>>)
    %dma_wait3A_396 = arith.constant 4096 : i32
    %dma_wait3A_397 = tpu.memref_slice %arg9[%dma_wait3A_396] : memref<32768xf32, #tpu.memory_space<vmem>> -> memref<4096xf32, #tpu.memory_space<vmem>>
    %dma_wait3A_398 = tpu.memref_slice %arg4[%mul3A_233] : memref<2097152xf32, #tpu.memory_space<hbm>> -> memref<4096xf32, #tpu.memory_space<hbm>>
    %dma_wait3A_399 = tpu.memref_slice %arg4[%mul3A_233] : memref<2097152xf32, #tpu.memory_space<hbm>> -> memref<4096xf32, #tpu.memory_space<hbm>>
    %dma_wait3A_400 = arith.constant 4096 : i32
    %dma_wait3A_401 = tpu.memref_slice %arg9[%dma_wait3A_400] : memref<32768xf32, #tpu.memory_space<vmem>> -> memref<4096xf32, #tpu.memory_space<vmem>>
    tpu.wait_dma2 semaphore(%arg15 : memref<!tpu.dma_semaphore, #tpu.memory_space<semaphore_mem>>) src(%dma_wait3A_401 : memref<4096xf32, #tpu.memory_space<vmem>>) dst(%dma_wait3A_399 : memref<4096xf32, #tpu.memory_space<hbm>>)
    %dma_wait3A_402 = arith.constant 4096 : i32
    %dma_wait3A_403 = tpu.memref_slice %arg10[%dma_wait3A_402] : memref<32768xf32, #tpu.memory_space<vmem>> -> memref<4096xf32, #tpu.memory_space<vmem>>
    %dma_wait3A_404 = tpu.memref_slice %arg4[%mul3A_245] : memref<2097152xf32, #tpu.memory_space<hbm>> -> memref<4096xf32, #tpu.memory_space<hbm>>
    %dma_wait3A_405 = tpu.memref_slice %arg4[%mul3A_245] : memref<2097152xf32, #tpu.memory_space<hbm>> -> memref<4096xf32, #tpu.memory_space<hbm>>
    %dma_wait3A_406 = arith.constant 4096 : i32
    %dma_wait3A_407 = tpu.memref_slice %arg10[%dma_wait3A_406] : memref<32768xf32, #tpu.memory_space<vmem>> -> memref<4096xf32, #tpu.memory_space<vmem>>
    tpu.wait_dma2 semaphore(%arg15 : memref<!tpu.dma_semaphore, #tpu.memory_space<semaphore_mem>>) src(%dma_wait3A_407 : memref<4096xf32, #tpu.memory_space<vmem>>) dst(%dma_wait3A_405 : memref<4096xf32, #tpu.memory_space<hbm>>)
    %dma_wait3A_408 = arith.constant 8192 : i32
    %dma_wait3A_409 = tpu.memref_slice %arg9[%dma_wait3A_408] : memref<32768xf32, #tpu.memory_space<vmem>> -> memref<4096xf32, #tpu.memory_space<vmem>>
    %dma_wait3A_410 = tpu.memref_slice %arg4[%mul3A_255] : memref<2097152xf32, #tpu.memory_space<hbm>> -> memref<4096xf32, #tpu.memory_space<hbm>>
    %dma_wait3A_411 = tpu.memref_slice %arg4[%mul3A_255] : memref<2097152xf32, #tpu.memory_space<hbm>> -> memref<4096xf32, #tpu.memory_space<hbm>>
    %dma_wait3A_412 = arith.constant 8192 : i32
    %dma_wait3A_413 = tpu.memref_slice %arg9[%dma_wait3A_412] : memref<32768xf32, #tpu.memory_space<vmem>> -> memref<4096xf32, #tpu.memory_space<vmem>>
    tpu.wait_dma2 semaphore(%arg15 : memref<!tpu.dma_semaphore, #tpu.memory_space<semaphore_mem>>) src(%dma_wait3A_413 : memref<4096xf32, #tpu.memory_space<vmem>>) dst(%dma_wait3A_411 : memref<4096xf32, #tpu.memory_space<hbm>>)
    %dma_wait3A_414 = arith.constant 8192 : i32
    %dma_wait3A_415 = tpu.memref_slice %arg10[%dma_wait3A_414] : memref<32768xf32, #tpu.memory_space<vmem>> -> memref<4096xf32, #tpu.memory_space<vmem>>
    %dma_wait3A_416 = tpu.memref_slice %arg4[%mul3A_267] : memref<2097152xf32, #tpu.memory_space<hbm>> -> memref<4096xf32, #tpu.memory_space<hbm>>
    %dma_wait3A_417 = tpu.memref_slice %arg4[%mul3A_267] : memref<2097152xf32, #tpu.memory_space<hbm>> -> memref<4096xf32, #tpu.memory_space<hbm>>
    %dma_wait3A_418 = arith.constant 8192 : i32
    %dma_wait3A_419 = tpu.memref_slice %arg10[%dma_wait3A_418] : memref<32768xf32, #tpu.memory_space<vmem>> -> memref<4096xf32, #tpu.memory_space<vmem>>
    tpu.wait_dma2 semaphore(%arg15 : memref<!tpu.dma_semaphore, #tpu.memory_space<semaphore_mem>>) src(%dma_wait3A_419 : memref<4096xf32, #tpu.memory_space<vmem>>) dst(%dma_wait3A_417 : memref<4096xf32, #tpu.memory_space<hbm>>)
    %dma_wait3A_420 = arith.constant 12288 : i32
    %dma_wait3A_421 = tpu.memref_slice %arg9[%dma_wait3A_420] : memref<32768xf32, #tpu.memory_space<vmem>> -> memref<4096xf32, #tpu.memory_space<vmem>>
    %dma_wait3A_422 = tpu.memref_slice %arg4[%mul3A_277] : memref<2097152xf32, #tpu.memory_space<hbm>> -> memref<4096xf32, #tpu.memory_space<hbm>>
    %dma_wait3A_423 = tpu.memref_slice %arg4[%mul3A_277] : memref<2097152xf32, #tpu.memory_space<hbm>> -> memref<4096xf32, #tpu.memory_space<hbm>>
    %dma_wait3A_424 = arith.constant 12288 : i32
    %dma_wait3A_425 = tpu.memref_slice %arg9[%dma_wait3A_424] : memref<32768xf32, #tpu.memory_space<vmem>> -> memref<4096xf32, #tpu.memory_space<vmem>>
    tpu.wait_dma2 semaphore(%arg15 : memref<!tpu.dma_semaphore, #tpu.memory_space<semaphore_mem>>) src(%dma_wait3A_425 : memref<4096xf32, #tpu.memory_space<vmem>>) dst(%dma_wait3A_423 : memref<4096xf32, #tpu.memory_space<hbm>>)
    %dma_wait3A_426 = arith.constant 12288 : i32
    %dma_wait3A_427 = tpu.memref_slice %arg10[%dma_wait3A_426] : memref<32768xf32, #tpu.memory_space<vmem>> -> memref<4096xf32, #tpu.memory_space<vmem>>
    %dma_wait3A_428 = tpu.memref_slice %arg4[%mul3A_289] : memref<2097152xf32, #tpu.memory_space<hbm>> -> memref<4096xf32, #tpu.memory_space<hbm>>
    %dma_wait3A_429 = tpu.memref_slice %arg4[%mul3A_289] : memref<2097152xf32, #tpu.memory_space<hbm>> -> memref<4096xf32, #tpu.memory_space<hbm>>
    %dma_wait3A_430 = arith.constant 12288 : i32
    %dma_wait3A_431 = tpu.memref_slice %arg10[%dma_wait3A_430] : memref<32768xf32, #tpu.memory_space<vmem>> -> memref<4096xf32, #tpu.memory_space<vmem>>
    tpu.wait_dma2 semaphore(%arg15 : memref<!tpu.dma_semaphore, #tpu.memory_space<semaphore_mem>>) src(%dma_wait3A_431 : memref<4096xf32, #tpu.memory_space<vmem>>) dst(%dma_wait3A_429 : memref<4096xf32, #tpu.memory_space<hbm>>)
    %dma_wait3A_432 = arith.constant 16384 : i32
    %dma_wait3A_433 = tpu.memref_slice %arg9[%dma_wait3A_432] : memref<32768xf32, #tpu.memory_space<vmem>> -> memref<4096xf32, #tpu.memory_space<vmem>>
    %dma_wait3A_434 = tpu.memref_slice %arg4[%mul3A_299] : memref<2097152xf32, #tpu.memory_space<hbm>> -> memref<4096xf32, #tpu.memory_space<hbm>>
    %dma_wait3A_435 = tpu.memref_slice %arg4[%mul3A_299] : memref<2097152xf32, #tpu.memory_space<hbm>> -> memref<4096xf32, #tpu.memory_space<hbm>>
    %dma_wait3A_436 = arith.constant 16384 : i32
    %dma_wait3A_437 = tpu.memref_slice %arg9[%dma_wait3A_436] : memref<32768xf32, #tpu.memory_space<vmem>> -> memref<4096xf32, #tpu.memory_space<vmem>>
    tpu.wait_dma2 semaphore(%arg15 : memref<!tpu.dma_semaphore, #tpu.memory_space<semaphore_mem>>) src(%dma_wait3A_437 : memref<4096xf32, #tpu.memory_space<vmem>>) dst(%dma_wait3A_435 : memref<4096xf32, #tpu.memory_space<hbm>>)
    %dma_wait3A_438 = arith.constant 16384 : i32
    %dma_wait3A_439 = tpu.memref_slice %arg10[%dma_wait3A_438] : memref<32768xf32, #tpu.memory_space<vmem>> -> memref<4096xf32, #tpu.memory_space<vmem>>
    %dma_wait3A_440 = tpu.memref_slice %arg4[%mul3A_311] : memref<2097152xf32, #tpu.memory_space<hbm>> -> memref<4096xf32, #tpu.memory_space<hbm>>
    %dma_wait3A_441 = tpu.memref_slice %arg4[%mul3A_311] : memref<2097152xf32, #tpu.memory_space<hbm>> -> memref<4096xf32, #tpu.memory_space<hbm>>
    %dma_wait3A_442 = arith.constant 16384 : i32
    %dma_wait3A_443 = tpu.memref_slice %arg10[%dma_wait3A_442] : memref<32768xf32, #tpu.memory_space<vmem>> -> memref<4096xf32, #tpu.memory_space<vmem>>
    tpu.wait_dma2 semaphore(%arg15 : memref<!tpu.dma_semaphore, #tpu.memory_space<semaphore_mem>>) src(%dma_wait3A_443 : memref<4096xf32, #tpu.memory_space<vmem>>) dst(%dma_wait3A_441 : memref<4096xf32, #tpu.memory_space<hbm>>)
    %dma_wait3A_444 = arith.constant 20480 : i32
    %dma_wait3A_445 = tpu.memref_slice %arg9[%dma_wait3A_444] : memref<32768xf32, #tpu.memory_space<vmem>> -> memref<4096xf32, #tpu.memory_space<vmem>>
    %dma_wait3A_446 = tpu.memref_slice %arg4[%mul3A_321] : memref<2097152xf32, #tpu.memory_space<hbm>> -> memref<4096xf32, #tpu.memory_space<hbm>>
    %dma_wait3A_447 = tpu.memref_slice %arg4[%mul3A_321] : memref<2097152xf32, #tpu.memory_space<hbm>> -> memref<4096xf32, #tpu.memory_space<hbm>>
    %dma_wait3A_448 = arith.constant 20480 : i32
    %dma_wait3A_449 = tpu.memref_slice %arg9[%dma_wait3A_448] : memref<32768xf32, #tpu.memory_space<vmem>> -> memref<4096xf32, #tpu.memory_space<vmem>>
    tpu.wait_dma2 semaphore(%arg15 : memref<!tpu.dma_semaphore, #tpu.memory_space<semaphore_mem>>) src(%dma_wait3A_449 : memref<4096xf32, #tpu.memory_space<vmem>>) dst(%dma_wait3A_447 : memref<4096xf32, #tpu.memory_space<hbm>>)
    %dma_wait3A_450 = arith.constant 20480 : i32
    %dma_wait3A_451 = tpu.memref_slice %arg10[%dma_wait3A_450] : memref<32768xf32, #tpu.memory_space<vmem>> -> memref<4096xf32, #tpu.memory_space<vmem>>
    %dma_wait3A_452 = tpu.memref_slice %arg4[%mul3A_333] : memref<2097152xf32, #tpu.memory_space<hbm>> -> memref<4096xf32, #tpu.memory_space<hbm>>
    %dma_wait3A_453 = tpu.memref_slice %arg4[%mul3A_333] : memref<2097152xf32, #tpu.memory_space<hbm>> -> memref<4096xf32, #tpu.memory_space<hbm>>
    %dma_wait3A_454 = arith.constant 20480 : i32
    %dma_wait3A_455 = tpu.memref_slice %arg10[%dma_wait3A_454] : memref<32768xf32, #tpu.memory_space<vmem>> -> memref<4096xf32, #tpu.memory_space<vmem>>
    tpu.wait_dma2 semaphore(%arg15 : memref<!tpu.dma_semaphore, #tpu.memory_space<semaphore_mem>>) src(%dma_wait3A_455 : memref<4096xf32, #tpu.memory_space<vmem>>) dst(%dma_wait3A_453 : memref<4096xf32, #tpu.memory_space<hbm>>)
    %dma_wait3A_456 = arith.constant 24576 : i32
    %dma_wait3A_457 = tpu.memref_slice %arg9[%dma_wait3A_456] : memref<32768xf32, #tpu.memory_space<vmem>> -> memref<4096xf32, #tpu.memory_space<vmem>>
    %dma_wait3A_458 = tpu.memref_slice %arg4[%mul3A_343] : memref<2097152xf32, #tpu.memory_space<hbm>> -> memref<4096xf32, #tpu.memory_space<hbm>>
    %dma_wait3A_459 = tpu.memref_slice %arg4[%mul3A_343] : memref<2097152xf32, #tpu.memory_space<hbm>> -> memref<4096xf32, #tpu.memory_space<hbm>>
    %dma_wait3A_460 = arith.constant 24576 : i32
    %dma_wait3A_461 = tpu.memref_slice %arg9[%dma_wait3A_460] : memref<32768xf32, #tpu.memory_space<vmem>> -> memref<4096xf32, #tpu.memory_space<vmem>>
    tpu.wait_dma2 semaphore(%arg15 : memref<!tpu.dma_semaphore, #tpu.memory_space<semaphore_mem>>) src(%dma_wait3A_461 : memref<4096xf32, #tpu.memory_space<vmem>>) dst(%dma_wait3A_459 : memref<4096xf32, #tpu.memory_space<hbm>>)
    %dma_wait3A_462 = arith.constant 24576 : i32
    %dma_wait3A_463 = tpu.memref_slice %arg10[%dma_wait3A_462] : memref<32768xf32, #tpu.memory_space<vmem>> -> memref<4096xf32, #tpu.memory_space<vmem>>
    %dma_wait3A_464 = tpu.memref_slice %arg4[%mul3A_355] : memref<2097152xf32, #tpu.memory_space<hbm>> -> memref<4096xf32, #tpu.memory_space<hbm>>
    %dma_wait3A_465 = tpu.memref_slice %arg4[%mul3A_355] : memref<2097152xf32, #tpu.memory_space<hbm>> -> memref<4096xf32, #tpu.memory_space<hbm>>
    %dma_wait3A_466 = arith.constant 24576 : i32
    %dma_wait3A_467 = tpu.memref_slice %arg10[%dma_wait3A_466] : memref<32768xf32, #tpu.memory_space<vmem>> -> memref<4096xf32, #tpu.memory_space<vmem>>
    tpu.wait_dma2 semaphore(%arg15 : memref<!tpu.dma_semaphore, #tpu.memory_space<semaphore_mem>>) src(%dma_wait3A_467 : memref<4096xf32, #tpu.memory_space<vmem>>) dst(%dma_wait3A_465 : memref<4096xf32, #tpu.memory_space<hbm>>)
    %dma_wait3A_468 = arith.constant 28672 : i32
    %dma_wait3A_469 = tpu.memref_slice %arg9[%dma_wait3A_468] : memref<32768xf32, #tpu.memory_space<vmem>> -> memref<4096xf32, #tpu.memory_space<vmem>>
    %dma_wait3A_470 = tpu.memref_slice %arg4[%mul3A_365] : memref<2097152xf32, #tpu.memory_space<hbm>> -> memref<4096xf32, #tpu.memory_space<hbm>>
    %dma_wait3A_471 = tpu.memref_slice %arg4[%mul3A_365] : memref<2097152xf32, #tpu.memory_space<hbm>> -> memref<4096xf32, #tpu.memory_space<hbm>>
    %dma_wait3A_472 = arith.constant 28672 : i32
    %dma_wait3A_473 = tpu.memref_slice %arg9[%dma_wait3A_472] : memref<32768xf32, #tpu.memory_space<vmem>> -> memref<4096xf32, #tpu.memory_space<vmem>>
    tpu.wait_dma2 semaphore(%arg15 : memref<!tpu.dma_semaphore, #tpu.memory_space<semaphore_mem>>) src(%dma_wait3A_473 : memref<4096xf32, #tpu.memory_space<vmem>>) dst(%dma_wait3A_471 : memref<4096xf32, #tpu.memory_space<hbm>>)
    %dma_wait3A_474 = arith.constant 28672 : i32
    %dma_wait3A_475 = tpu.memref_slice %arg10[%dma_wait3A_474] : memref<32768xf32, #tpu.memory_space<vmem>> -> memref<4096xf32, #tpu.memory_space<vmem>>
    %dma_wait3A_476 = tpu.memref_slice %arg4[%mul3A_377] : memref<2097152xf32, #tpu.memory_space<hbm>> -> memref<4096xf32, #tpu.memory_space<hbm>>
    %dma_wait3A_477 = tpu.memref_slice %arg4[%mul3A_377] : memref<2097152xf32, #tpu.memory_space<hbm>> -> memref<4096xf32, #tpu.memory_space<hbm>>
    %dma_wait3A_478 = arith.constant 28672 : i32
    %dma_wait3A_479 = tpu.memref_slice %arg10[%dma_wait3A_478] : memref<32768xf32, #tpu.memory_space<vmem>> -> memref<4096xf32, #tpu.memory_space<vmem>>
    tpu.wait_dma2 semaphore(%arg15 : memref<!tpu.dma_semaphore, #tpu.memory_space<semaphore_mem>>) src(%dma_wait3A_479 : memref<4096xf32, #tpu.memory_space<vmem>>) dst(%dma_wait3A_477 : memref<4096xf32, #tpu.memory_space<hbm>>)
    return
  }
}

module attributes {stable_mosaic.version = 14 : i64} {
  func.func @body(%arg0: i32, %arg1: memref<2048x128xf32, #tpu.memory_space<vmem>>, %arg2: memref<64x128xf32, #tpu.memory_space<vmem>>, %arg3: memref<2048x128xf32, #tpu.memory_space<vmem>>) attributes {dimension_semantics = [#tpu.dimension_semantics<arbitrary>], iteration_bounds = array<i64: 8>, scalar_prefetch = 0 : i64, scratch_operands = 0 : i64, tpu.core_type = #tpu.core_type<tc>, window_params = [{transform_indices = @transform_0, window_bounds = array<i64: 2048, 128>}, {pipeline_mode = #tpu.pipeline_mode<synchronous>, transform_indices = @transform_1, window_bounds = array<i64: 64, 128>}, {transform_indices = @transform_2, window_bounds = array<i64: 2048, 128>}]} {
    %get3A = arith.constant 0 : index
    %get3A_0 = arith.constant 0 : index
    %get3A_1 = vector.load %arg1[%get3A, %get3A_0] : memref<2048x128xf32, #tpu.memory_space<vmem>>, vector<2048x64xf32>
    %get3A_2 = arith.constant 0 : index
    %get3A_3 = arith.constant 0 : index
    %get3A_4 = vector.load %arg2[%get3A_2, %get3A_3] : memref<64x128xf32, #tpu.memory_space<vmem>>, vector<64x128xf32>
    %dot_general3A = arith.constant dense<0.000000e+00> : vector<2048x128xf32>
    %dot_general3A_5 = tpu.matmul %get3A_1, %get3A_4, %dot_general3A {dimension_numbers = #tpu.dot_dimension_numbers<[1], [0], [0], [1], [0, 0, 1, 1], [], []>, transpose_lhs_hint = false} : vector<2048x64xf32>, vector<64x128xf32>, vector<2048x128xf32> -> vector<2048x128xf32>
    %swap3A = arith.constant 0 : index
    %swap3A_6 = arith.constant 0 : index
    %swap3A_7 = vector.load %arg3[%swap3A, %swap3A_6] : memref<2048x128xf32, #tpu.memory_space<vmem>>, vector<2048x128xf32>
    tpu.vector_store %arg3[%swap3A, %swap3A_6], %dot_general3A_5 {strides = array<i32>} : memref<2048x128xf32, #tpu.memory_space<vmem>>, vector<2048x128xf32>,
    return
  }
  func.func @transform_0(%arg0: i32) -> (i32, i32) {
    %c0_i32 = arith.constant 0 : i32
    %c0_i32_0 = arith.constant 0 : i32
    return %arg0, %c0_i32 : i32, i32
  }
  func.func @transform_1(%arg0: i32) -> (i32, i32) {
    %c0_i32 = arith.constant 0 : i32
    %c0_i32_0 = arith.constant 0 : i32
    %c0_i32_1 = arith.constant 0 : i32
    return %c0_i32, %c0_i32_0 : i32, i32
  }
  func.func @transform_2(%arg0: i32) -> (i32, i32) {
    %c0_i32 = arith.constant 0 : i32
    %c0_i32_0 = arith.constant 0 : i32
    return %arg0, %c0_i32 : i32, i32
  }
}

</mosaic_0001>

<sc_bundles>
// kernel: kernel.4.cloned.1.call-start
scs
__scs_entry_jumppad:
0x0: {  	(pc) =	sbr.rel $0x88, $3  }
0x1: {  	(tag) =	ssettag $0x0;
	lr =	simm.s32 $0x1  }
0x2: {  	[smem:$0x3F9E] =	sst lr;
	_ =	strace $0xD0000000  }
0x3: {  	_ = 	snop  }
0x4: {  	_ = 	snop  }
0x5: {  	_ = 	snop  }
0x6: {  	_ = 	snop  }
0x7: {  	_ = 	snop  }
__scs_overlays_trampoline_lowered:
0x8: {  	[smem:$0x3FAD] =	sst s0  }
0x9: {  	[smem:$0x3FAE] =	sst s1  }
0xa: {  	[smem:$0x3FAF] =	sst s2  }
0xb: {  	[smem:$0x3FB0] =	sst s3  }
0xc: {  	[smem:$0x3FB1] =	sst s4  }
0xd: {  	[smem:$0x3FB2] =	sst s5  }
0xe: {  	[smem:$0x3FB3] =	sst s6  }
0xf: {  	[smem:$0x3FB4] =	sst s7  }
0x10: {  	[smem:$0x3FB5] =	sst s8  }
0x11: {  	[smem:$0x3FB6] =	sst s9;
	s0 =	simm.s32 @!p0 $0x0  }
0x12: {  	s1 =	sld [smem:$0x3F9C];
	s0 =	simm.s32 @p0 $0x1  }
0x13: {  	[smem:$0x3FB7] =	sst s0;
	s0 =	simm.s32 @!p1 $0x0  }
0x14: {  	s2 =	sld [smem:$0x3F9B];
	s0 =	simm.s32 @p1 $0x1  }
0x15: {  	[smem:$0x3FB8] =	sst s0;
	s0 =	simm.s32 @!p2 $0x0  }
0x16: {  	s3 =	sld [smem:$0x3FDB];
	s0 =	simm.s32 @p2 $0x1  }
0x17: {  	s4 =	simm.s32 $0x1BF5;
	[smem:$0x3FBA] =	sst s0  }
0x18: {  	s0 =	sld [smem:$0x3F9D];
	_ =	swait.ge [sflag:s4], $0x0  }
0x19: {  	s7 =	sld [smem:$0x3F9E]  }
0x1a: {  	s8 =	sadd.s32 $0xFFFFE003, lr  }
0x1b: {  	s9 =	sadd.s32 $0xFFFFFEF7, lr;
	s5 =	simm.s32 $0xFFFFFFFF;
	p2 =	slt.u32 s8, $0xFFFFF086  }
0x1c: {  	p1 =	slt.u32 s9, $0xF7A;
	s5 =	simm.s32 @!p2 $0x0  }
0x1d: {  	s5 =	simm.s32 @p1 $0x1;
	p0 =	seq.s32 s7, s2  }
0x1e: {  	s7 =	smul.u32 @!p0 $0xF7A, s2;
	p2 =	seq.s32 @!p0 s5, $0x0  }
0x1f: {  	s9 =	smul.u32 $0xF7A, s1;
	s8 =	simm.s32 @!p0 $0x1BF5;
	p2 =	por !p2, p0  }
0x20: {  	[sflag:s8] =	ssyncset.s32 @!p0 $0xFFFFF086;
	s6 =	sadd.s32 @!p0 s3, s7;
	s7 =	simm.s32 @!p0 $0x108  }
0x21: {  	s3 =	sadd.s32 s3, s9;
	s6 =	sadd.s32 @!p0 $0x88, s6;
	s7 =	simm.s32 @p2 $0x1082  }
0x22: {  	[simem:s7], [sflag:s8] =	dma.local @!p0 [hbm:s6], $0xF7A  }
0x23: {  	s9 =	sor.u32 $0xD0000000, s2;
	s6 =	simm.s32 $0x108;
	_ =	swait.ge @!p0 [sflag:s8], $0x0  }
0x24: {  	s3 =	sadd.s32 $0x88, s3;
	s6 =	simm.s32 @!p1 $0x1082;
	[sflag:s4] =	ssyncset.s32 $0xFFFFF086  }
0x25: {  	[simem:s6], [sflag:s4] =	dma.local [hbm:s3], $0xF7A  }
0x26: {  	[smem:$0x3F9E] =	sst s1;
	(tag) =	ssettag s2;
	_ =	strace s9  }
0x27: {  	s1 =	sld [smem:$0x3FAE]  }
0x28: {  	s2 =	sld [smem:$0x3FAF]  }
0x29: {  	s4 =	sld [smem:$0x3FB1]  }
0x2a: {  	p0 =	seq.s32 s5, $0x0;
	s5 =	sld [smem:$0x3FB2]  }
0x2b: {  	s6 =	sld [smem:$0x3FB3]  }
0x2c: {  	s7 =	sld [smem:$0x3FB4]  }
0x2d: {  	s3 =	simm.s32 $0x108;
	s8 =	sld [smem:$0x3FB5]  }
0x2e: {  	s3 =	simm.s32 @!p0 $0x1082;
	s9 =	sld [smem:$0x3FB6]  }
0x2f: {  	lr =	sadd.s32 s0, s3;
	s0 =	sld [smem:$0x3FAD]  }
0x30: {  	s3 =	sld [smem:$0x3FB0]  }
0x31: {  	[smem:$0x3FB9] =	sst s10  }
0x32: {  	s10 =	sld [smem:$0x3FB7];
	_ =	sdelay $0x3  }
0x33: {  	p0 =	seq.s32 s10, $0x1;
	s10 =	sld [smem:$0x3FB9];
	_ =	sdelay $0x3  }
0x34: {  	[smem:$0x3FB9] =	sst s10  }
0x35: {  	s10 =	sld [smem:$0x3FB8];
	_ =	sdelay $0x3  }
0x36: {  	p1 =	seq.s32 s10, $0x1;
	s10 =	sld [smem:$0x3FB9];
	_ =	sdelay $0x3  }
0x37: {  	[smem:$0x3FB9] =	sst s10  }
0x38: {  	s10 =	sld [smem:$0x3FBA]  }
0x39: {  	_ = 	snop;
	(pc) =	sbr.ind lr, $3  }
0x3a: {  	_ = 	snop  }
0x3b: {  	_ = 	snop  }
0x3c: {  	p2 =	seq.s32 s10, $0x1;
	s10 =	sld [smem:$0x3FB9]  }
0x3d: {  	_ =	shalt  }
0x3e: {  	_ =	shalt  }
0x3f: {  	_ =	shalt  }
0x40: {  	_ =	shalt  }
0x41: {  	_ =	shalt  }
0x42: {  	_ =	shalt  }
0x43: {  	_ =	shalt  }
0x44: {  	_ =	shalt  }
0x45: {  	_ =	shalt  }
0x46: {  	_ =	shalt  }
0x47: {  	_ =	shalt  }
0x48: {  	_ =	shalt  }
0x49: {  	_ =	shalt  }
0x4a: {  	_ =	shalt  }
0x4b: {  	_ =	shalt  }
0x4c: {  	_ =	shalt  }
0x4d: {  	_ =	shalt  }
0x4e: {  	_ =	shalt  }
0x4f: {  	_ =	shalt  }
0x50: {  	_ =	shalt  }
0x51: {  	_ =	shalt  }
0x52: {  	_ =	shalt  }
0x53: {  	_ =	shalt  }
0x54: {  	_ =	shalt  }
0x55: {  	_ =	shalt  }
0x56: {  	_ =	shalt  }
0x57: {  	_ =	shalt  }
0x58: {  	_ =	shalt  }
0x59: {  	_ =	shalt  }
0x5a: {  	_ =	shalt  }
0x5b: {  	_ =	shalt  }
0x5c: {  	_ =	shalt  }
0x5d: {  	_ =	shalt  }
0x5e: {  	_ =	shalt  }
0x5f: {  	_ =	shalt  }
0x60: {  	_ =	shalt  }
0x61: {  	_ =	shalt  }
0x62: {  	_ =	shalt  }
0x63: {  	_ =	shalt  }
0x64: {  	_ =	shalt  }
0x65: {  	_ =	shalt  }
0x66: {  	_ =	shalt  }
0x67: {  	_ =	shalt  }
0x68: {  	_ =	shalt  }
0x69: {  	_ =	shalt  }
0x6a: {  	_ =	shalt  }
0x6b: {  	_ =	shalt  }
0x6c: {  	_ =	shalt  }
0x6d: {  	_ =	shalt  }
0x6e: {  	_ =	shalt  }
0x6f: {  	_ =	shalt  }
0x70: {  	_ =	shalt  }
0x71: {  	_ =	shalt  }
0x72: {  	_ =	shalt  }
0x73: {  	_ =	shalt  }
0x74: {  	_ =	shalt  }
0x75: {  	_ =	shalt  }
0x76: {  	_ =	shalt  }
0x77: {  	_ =	shalt  }
0x78: {  	_ =	shalt  }
0x79: {  	_ =	shalt  }
0x7a: {  	_ =	shalt  }
0x7b: {  	_ =	shalt  }
0x7c: {  	_ =	shalt  }
0x7d: {  	_ =	shalt  }
0x7e: {  	_ =	shalt  }
0x7f: {  	_ =	shalt  }
0x80: {  	_ =	shalt  }
0x81: {  	_ =	shalt  }
0x82: {  	_ =	shalt  }
0x83: {  	_ =	shalt  }
0x84: {  	_ =	shalt  }
0x85: {  	_ =	shalt  }
0x86: {  	_ =	shalt  }
0x87: {  	_ =	shalt  }
.Lfunc_end0:
.L_simem_size_0:
called_computation_lowered:
.L_overlay_start_0:
0x88: {  	s2 =	sld [smem:$0x3FD9]  }
0x89: {  	s3 =	sld [smem:$0x3FFE];
	_ =	sdelay $0x1  }
0x8a: {  	s1 =	srdreg.scid  }
0x8b: {  	s0 =	sand.u32 $0x1, s1  }
0x8c: {  	s17 =	sshll.u32 s0, $0xA;
	s2 =	sadd.s32 s3, s2  }
0x8d: {  	s2 =	sadd.s32 s2, s17  }
0x8e: {  	[smem:$0x3FC5] =	sst s2  }
0x8f: {  	_ = 	snop  }
0x90: {  	s2 =	sld [smem:$0x3FD0];
	(tm) =	ssettm $0x1  }
0x91: {  	s18 =	sld [smem:$0x3FFB];
	_ =	sdelay $0x3  }
0x92: {  	_ =	strace s18  }
0x93: {  	s3 =	sld [smem:$0x3FFC];
	_ =	sdelay $0x3  }
0x94: {  	_ =	strace s3  }
0x95: {  	s3 =	sld [smem:$0x3FFD];
	_ =	sdelay $0x3  }
0x96: {  	_ =	strace s3  }
0x97: {  	_ =	strace $0x8FFFFFFF  }
0x98: {  	s19 =	sld [smem:$0x3FDB];
	_ =	sdelay $0x1  }
0x99: {  	s4 =	simm.s32 $_scs_section_size  }
0x9a: {  	s5 =	simm.s32 $_size__tile_overlayer_lowered;
	s6 =	simm.s32 $_tile_overlayer_lowered  }
0x9b: {  	s22 =	simm.s32 $0x1BFF;
	s21 =	sshll.u32 s6, $0x1;
	s3 =	sadd.s32 s4, s19  }
0x9c: {  	s7 =	simm.s32 $0x0;
	s20 =	sshll.u32 s5, $0x1;
	s5 =	sadd.s32 s21, s3  }
0x9d: {  	[timem:s7], [sflag:s22] =	dma.local [hbm:s5], s20  }
0x9e: {  	_ =	swait.ge [sflag:s22], s20  }
0x9f: {  	s4 =	ssub.s32 $0x0, s20;
	[sflag:s22] =	ssyncset.done $0x0  }
0xa0: {  	[sflag:s22] =	ssyncadd.s32 s4;
	_ =	sdelay $0x1  }
0xa1: {  	s23 =	simm.s32 $0x1B8B  }
0xa2: {  	_ =	swait.ge [sflag:s23], $0x1  }
0xa3: {  	[sflag:s23] =	ssyncset.done $0x0  }
0xa4: {  	s25 =	simm.s32 $0x1B8E;
	s24 =	sld [smem:$0x3FFE];
	[sflag:s23] =	ssyncadd.s32 $0xFFFFFFFF  }
0xa5: {  	s26 =	simm.s32 $execute0_lowered;
	[smem:$0x3FD2] =	sst s25  }
0xa6: {  	s5 =	sshll.u32 s26, $0x1;
	_ =	strace $0x80000046;
	[dreg:$0x1] =	wrdreg $0xFFFFFFFF  }
0xa7: {  	s28 =	simm.s32 $_size_execute0_lowered;
	s3 =	sadd.s32 s3, s5;
	[dreg:$0x0] =	wrdreg $0x0  }
0xa8: {  	s5 =	sshll.u32 s28, $0x1;
	[dreg:$0x2] =	wrdreg s3  }
0xa9: {  	[dreg:$0x3] =	wrdreg s5  }
0xaa: {  	[dreg:$0x4] =	wrdreg $0xC0  }
0xab: {  	_ =	task [dreg:s7], $0x5FFFF  }
0xac: {  	[dreg:$0x1] =	wrdreg $0xFFFFFFFF  }
0xad: {  	[dreg:$0x0] =	wrdreg $0x60  }
0xae: {  	[dreg:$0x2] =	wrdreg s2  }
0xaf: {  	[dreg:$0x3] =	wrdreg s24  }
0xb0: {  	[dreg:$0x4] =	wrdreg $0x9  }
0xb1: {  	_ =	task.clear_ibuf [dreg:s7], $0x5FFFF;
	_ =	strace $0x90000046  }
0xb2: {  	s29 =	simm.s32 $0x9;
	_ =	strace $0x80000048  }
0xb3: {  	_ =	swait.ge [sflag:s29], $0x1  }
0xb4: {  	[sflag:s29] =	ssyncadd.s32 $0xFFFFFFFF  }
0xb5: {  	_ =	strace $0x90000048  }
0xb6: {  	_ =	sfence  }
0xb7: {  	s30 =	sld [smem:$0x0];
	_ =	sdelay $0x2  }
0xb8: {  	s31 =	sshll.u32 s1, $0xD;
	s1 =	sshrl.u32 s1, $0x2  }
0xb9: {  	s3 =	sand.u32 $0x4000, s31;
	s1 =	sadd.s32 s1, s30  }
0xba: {  	s0 =	sor.u32 s3, s0;
	s1 =	sshll.u32 s1, $0x11  }
0xbb: {  	s0 =	sor.u32 s1, s0  }
0xbc: {  	s0 =	sadd.s32 $0x8F2B, s0  }
0xbd: {  	[sflag:s0] =	ssyncadd.remote.s32 $0x1  }
0xbe: {  	_ =	sfence.sel $0xFFFF  }
0xbf: {  	[dreg:$0x0] =	wrdreg $0xFFFFFFFF;
	(pc) =	sbr.abs _section_cstart, $3  }
0xc0: {  	[dreg:$0x1] =	wrdreg $0xFFFFFFFF  }
0xc1: {  	_ =	task.clear_ibuf [dreg:s7], $0x2FFFF;
	_ =	strace $0x9FFFFFFF  }
0xc2: {  	(tm) =	ssettm $0x7FFFFFFF  }
0xc3: {  	_ =	shalt  }
tec
execute0_lowered:
.L_overlay_start_1:
0x0: {  	(tag) =	ssettag $0x1  }
0x1: {  	s0 =	rddreg [dreg:$0x0]  }
0x2: {  	s2 =	rddreg [dreg:$0x1];
	s3 =	srdreg.scid  }
0x3: {  	s1 =	simm.s32 $0x0;
	s5 =	stileid.u32;
	s3 =	sand.u32 $0x1, s3  }
0x4: {  	[smem:$0x7FF] =	sst s1;
	s5 =	sshll.u32 s5, $0xE;
	s4 =	ssub.s32 $0x2, s3  }
0x5: {  	s6 =	sadd.s32 $0xA00, s2;
	s3 =	sshll.u32 s3, $0xD;
	s7 =	sshrl.u32 s4, $0x1  }
0x6: {  	s2 =	sadd.s32 $0x40A00, s2;
	s3 =	sor.u32 s3, s5;
	s4 =	ssub.s32 s4, s7  }
0x7: {  	s5 =	sadd.s32 s0, s3;
	s20 =	sadd.s32 s6, s3;
	s21 =	sor.u32 $0x400, s3  }
0x8: {  	s22 =	sor.u32 $0x800, s3;
	s13 =	sor.u32 $0xC00, s3;
	s9 =	sor.u32 $0x1000, s3  }
0x9: {  	s17 =	sor.u32 $0x1400, s3;
	s18 =	sadd.s32 s2, s3;
	[dreg:$0x3] =	wrdreg s5  }
0xa: {  	s7 =	simm.s32 $0x3;
	[dreg:$0x4] =	wrdreg s20;
	s8 =	sadd.s32 s0, s21  }
0xb: {  	s10 =	sadd.s32 s6, s21;
	s11 =	sadd.s32 s0, s22;
	s12 =	sadd.s32 s6, s22  }
0xc: {  	s14 =	sadd.s32 s6, s13;
	s15 =	sadd.s32 s0, s9;
	[dreg:$0x5] =	wrdreg s8  }
0xd: {  	s16 =	sadd.s32 s6, s9;
	s20 =	sor.u32 $0x1C00, s3;
	[dreg:$0x6] =	wrdreg s10  }
0xe: {  	s23 =	sadd.s32 s6, s17;
	s26 =	sadd.s32 s2, s21;
	[dreg:$0x7] =	wrdreg s11  }
0xf: {  	s21 =	sadd.s32 s2, s22;
	s22 =	sadd.s32 s2, s13;
	[dreg:$0x8] =	wrdreg s12  }
0x10: {  	s28 =	smax.u32 s4, $0x1;
	s29 =	sadd.s32 $0x200, s18;
	[dreg:$0xa] =	wrdreg s14  }
0x11: {  	s30 =	sadd.s32 $0x600, s18;
	s31 =	sadd.s32 $0xA00, s18;
	[dreg:$0xb] =	wrdreg s15  }
0x12: {  	s4 =	sadd.s32 $0x1E00, s18;
	s5 =	simm.s32 $0x4000;
	[dreg:$0xc] =	wrdreg s16  }
0x13: {  	s10 =	sadd.s32 s0, s13;
	s11 =	sor.u32 $0x1800, s3;
	[dreg:$0x10] =	wrdreg s23  }
0x14: {  	s12 =	sadd.s32 s0, s17;
	s25 =	sadd.s32 s6, s20;
	[dreg:$0x13] =	wrdreg s26  }
0x15: {  	s23 =	sadd.s32 s2, s9;
	s26 =	sadd.s32 s2, s20;
	s3 =	sadd.s32 $0x1A00, s18  }
0x16: {  	v0 =	vlaneseq.u32;
	s8 =	simm.s32 $0x2000;
	s9 =	simm.s32 $0x6000;
	s13 =	simm.s32 $0x4  }
0x17: {  	v1 =	vmul.u32 $0x80, v0;
	s14 =	simm.s32 $0x5;
	s15 =	simm.s32 $0x0;
	[dreg:$0x9] =	wrdreg s10  }
0x18: {  	[dreg:$0xd] =	wrdreg s12;
	s19 =	sadd.s32 s0, s11;
	s0 =	sadd.s32 s0, s20  }
0x19: {  	v3 =	vadd.s32 $0xFFFFFFCE, v0;
	v4 =	vor.u32 $0x1000, v1;
	s24 =	sadd.s32 s6, s11;
	[dreg:$0x12] =	wrdreg s25;
	s25 =	sadd.s32 s2, s11  }
0x1a: {  	v5 =	vor.u32 $0x800, v1;
	v6 =	vor.u32 $0x1800, v1;
	v7 =	vor.u32 $0x2000, v1;
	s6 =	simm.s32 $0x1;
	s10 =	simm.s32 $0x8000;
	[dreg:$0xe] =	wrdreg s19  }
0x1b: {  	v8 =	vor.u32 $0x2800, v1;
	v9 =	vor.u32 $0x3000, v1;
	v10 =	vor.u32 $0x3800, v1;
	s11 =	simm.s32 $0x10000;
	s12 =	simm.s32 $0x2;
	[dreg:$0xf] =	wrdreg s0  }
0x1c: {  	v11 =	vor.u32 $0x4000, v1;
	v12 =	vor.u32 $0x4800, v1;
	v13 =	vor.u32 $0x5000, v1;
	[dreg:$0x11] =	wrdreg s24;
	s24 =	sadd.s32 s2, s17;
	s19 =	sadd.s32 $0xE00, s18  }
0x1d: {  	v2 =	vimm.f32 $0.0e+00;
	v14 =	vor.u32 $0x5800, v1;
	v15 =	vor.u32 $0x6000, v1;
	s0 =	sadd.s32 $0x1200, s18;
	s2 =	sadd.s32 $0x1600, s18;
	_ =	strace $0x80000047  }
.LBB2_1:
0x1e: {  	s16 =	rddreg [dreg:$0x3]  }
0x1f: {  	[tilespmem:s1], [sflag:$0x1] =	stream.linear.gather [hbm4b:s16+s1], $0x2000, $0x38;
	[tilespmem:$0x18000] =	vst v63  }
0x20: {  	s20 =	rddreg [dreg:$0x4];
	s17 =	simm.s32 $0x200;
	s16 =	simm.s32 $0x0  }
0x21: {  	[tilespmem:s5], [sflag:$0x3] =	stream.linear.gather [hbm4b:s20+s1], $0x2000, $0x38;
	[tilespmem:$0x18000] =	vst v63  }
.LBB2_2:
0x22: {  	p0 =	sne.s32 s17, $0x1FE00;
	[tilespmem:s16+$0x10030] =	vst v2  }
0x23: {  	[tilespmem:s16+$0x8000] =	vst v2  }
0x24: {  	[tilespmem:s16+$0x10000] =	vst v2  }
.Ltmp0:
0x25: {  	[tilespmem:s16+$0x8010] =	vst v2;
	(pc) =	sbr.rel @p0 .LBB2_2-.Ltmp0, $4  }
0x26: {  	[tilespmem:s16+$0x10010] =	vst v2  }
0x27: {  	[tilespmem:s16+$0x8020] =	vst v2  }
0x28: {  	[tilespmem:s16+$0x10020] =	vst v2  }
0x29: {  	[tilespmem:s16+$0x8030] =	vst v2;
	s16 =	sshra.s32 s17, $0x2;
	s17 =	sadd.s32 $0x200, s17  }
0x2a: {  	[tilespmem:s16+$0x10030] =	vst v2  }
0x2b: {  	[tilespmem:s16+$0x8000] =	vst v2  }
0x2c: {  	[tilespmem:s16+$0x10000] =	vst v2  }
0x2d: {  	[tilespmem:s16+$0x8010] =	vst v2  }
0x2e: {  	[tilespmem:s16+$0x10010] =	vst v2  }
0x2f: {  	[tilespmem:s16+$0x8020] =	vst v2  }
0x30: {  	[tilespmem:s16+$0x10020] =	vst v2  }
0x31: {  	[tilespmem:s16+$0x8030] =	vst v2  }
0x32: {  	s16 =	simm.s32 $0x0;
	_ =	swait.ge [sflag:s6], $0x2000  }
0x33: {  	v16 =	vadd.s32 s16, v0;
	[sflag:s6] =	ssyncset.done $0x0  }
0x34: {  	v17 =	vadd.s32 s16, v3;
	vm0 =	vgt.u32 v16, $0x31;
	[sflag:s6] =	ssyncadd.s32 $0xFFFFE000  }
0x35: {  	v16 =	vsel vm0, v17, v16;
	_ =	swait.ge [sflag:s7], $0x2000  }
0x36: {  	v17 =	vadd.s32 v1, v16;
	[sflag:s7] =	ssyncset.done $0x0  }
0x37: {  	v19 =	vadd.s32 v4, v16;
	s17 =	rddreg [dreg:$0x5];
	[sflag:s7] =	ssyncadd.s32 $0xFFFFE000  }
0x38: {  	[tilespmem:s8], [sflag:$0x2] =	stream.linear.gather [hbm4b:s17+s16], $0x2000, $0x38;
	[tilespmem:$0x18000] =	vst v63  }
0x39: {  	s20 =	rddreg [dreg:$0x6]  }
0x3a: {  	[tilespmem:s9], [sflag:$0x4] =	stream.linear.gather [hbm4b:s20+s16], $0x2000, $0x38;
	[tilespmem:$0x18000] =	vst v63  }
0x3b: {  	v21 =	vld.idx.msk [tilespmem:v17+s16+$0x0], $0xffff  }
0x3c: {  	v18 =	vld.idx.msk [tilespmem:v19+s16+$0x0], $0xffff;
	_ =	sdelay $0x1  }
0x3d: {  	s17 =	simm.s32 $0x1  }
0x3e: {  	v20 =	vadd.s32 s17, v0;
	v17 =	vld.idx.msk [tilespmem:v17+s5+$0x0], $0xffff  }
0x3f: {  	v22 =	vadd.s32 s17, v3;
	vm0 =	vgt.u32 v20, $0x31;
	s20 =	simm.s32 $0x2;
	v19 =	vld.idx.msk [tilespmem:v19+s5+$0x0], $0xffff;
	v21 =	vadd.s32 v1, v21  }
.LBB2_4:
0x40: {  	p0 =	sne.s32 s20, $0x31;
	v20 =	vsel vm0, v22, v20;
	v18 =	vadd.s32 v1, v18  }
0x41: {  	v22 =	vadd.s32 v1, v20  }
0x42: {  	v23 =	vadd.s32 v4, v20;
	_ =	sdelay $0x1  }
0x43: {  	[tilespmem:v21+s10+$0x0] =	vst.idx.add.f32.msk $0xffff, v17  }
0x44: {  	[tilespmem:v18+s11+$0x0] =	vst.idx.add.f32.msk $0xffff, v19  }
0x45: {  	v21 =	vld.idx.msk [tilespmem:v22+s16+$0x0], $0xffff  }
0x46: {  	v18 =	vld.idx.msk [tilespmem:v23+s16+$0x0], $0xffff  }
.Ltmp1:
0x47: {  	(pc) =	sbr.rel @p0 .LBB2_4-.Ltmp1, $3  }
0x48: {  	_ =	sdelay $0x1  }
0x49: {  	v20 =	vadd.s32 s20, v0;
	v17 =	vld.idx.msk [tilespmem:v22+s5+$0x0], $0xffff  }
0x4a: {  	vm0 =	vgt.u32 v20, $0x31;
	v22 =	vadd.s32 s20, v3;
	s20 =	sadd.s32 $0x1, s20;
	v21 =	vadd.s32 v1, v21;
	v19 =	vld.idx.msk [tilespmem:v23+s5+$0x0], $0xffff  }
0x4b: {  	v20 =	vsel vm0, v22, v20;
	v18 =	vadd.s32 v1, v18  }
0x4c: {  	v22 =	vadd.s32 v1, v20  }
0x4d: {  	v20 =	vadd.s32 v4, v20;
	_ =	sdelay $0x1  }
0x4e: {  	[tilespmem:v21+s10+$0x0] =	vst.idx.add.f32.msk $0xffff, v17  }
0x4f: {  	[tilespmem:v18+s11+$0x0] =	vst.idx.add.f32.msk $0xffff, v19  }
0x50: {  	v17 =	vld.idx.msk [tilespmem:v22+s16+$0x0], $0xffff  }
0x51: {  	v18 =	vld.idx.msk [tilespmem:v20+s16+$0x0], $0xffff;
	_ =	sdelay $0x3  }
0x52: {  	v19 =	vld.idx.msk [tilespmem:v22+s5+$0x0], $0xffff;
	v17 =	vadd.s32 v1, v17  }
0x53: {  	v20 =	vld.idx.msk [tilespmem:v20+s5+$0x0], $0xffff;
	v18 =	vadd.s32 v1, v18  }
0x54: {  	v21 =	vadd.s32 v5, v16  }
0x55: {  	v22 =	vadd.s32 v6, v16;
	_ =	sdelay $0x1  }
0x56: {  	[tilespmem:v17+s10+$0x0] =	vst.idx.add.f32.msk $0xffff, v19  }
0x57: {  	[tilespmem:v18+s11+$0x0] =	vst.idx.add.f32.msk $0xffff, v20  }
0x58: {  	v20 =	vld.idx.msk [tilespmem:v21+s1+$0x0], $0xffff  }
0x59: {  	v17 =	vld.idx.msk [tilespmem:v22+s1+$0x0], $0xffff;
	_ =	sdelay $0x2  }
0x5a: {  	v19 =	vadd.s32 s17, v0;
	v16 =	vld.idx.msk [tilespmem:v21+s5+$0x0], $0xffff  }
0x5b: {  	s16 =	simm.s32 $0x2;
	vm0 =	vgt.u32 v19, $0x31;
	v21 =	vadd.s32 s17, v3;
	v18 =	vld.idx.msk [tilespmem:v22+s5+$0x0], $0xffff;
	v20 =	vadd.s32 v5, v20  }
.LBB2_6:
0x5c: {  	p0 =	sne.s32 s16, $0x31;
	v19 =	vsel vm0, v21, v19;
	v17 =	vadd.s32 v5, v17  }
0x5d: {  	v21 =	vadd.s32 v5, v19  }
0x5e: {  	v22 =	vadd.s32 v6, v19;
	_ =	sdelay $0x1  }
0x5f: {  	[tilespmem:v20+s10+$0x0] =	vst.idx.add.f32.msk $0xffff, v16  }
0x60: {  	[tilespmem:v17+s11+$0x0] =	vst.idx.add.f32.msk $0xffff, v18  }
0x61: {  	v20 =	vld.idx.msk [tilespmem:v21+s1+$0x0], $0xffff  }
0x62: {  	v17 =	vld.idx.msk [tilespmem:v22+s1+$0x0], $0xffff  }
.Ltmp2:
0x63: {  	(pc) =	sbr.rel @p0 .LBB2_6-.Ltmp2, $3  }
0x64: {  	_ =	sdelay $0x1  }
0x65: {  	v19 =	vadd.s32 s16, v0;
	v16 =	vld.idx.msk [tilespmem:v21+s5+$0x0], $0xffff  }
0x66: {  	vm0 =	vgt.u32 v19, $0x31;
	v21 =	vadd.s32 s16, v3;
	s16 =	sadd.s32 $0x1, s16;
	v20 =	vadd.s32 v5, v20;
	v18 =	vld.idx.msk [tilespmem:v22+s5+$0x0], $0xffff  }
0x67: {  	v19 =	vsel vm0, v21, v19;
	v17 =	vadd.s32 v5, v17  }
0x68: {  	v21 =	vadd.s32 v5, v19  }
0x69: {  	v19 =	vadd.s32 v6, v19;
	_ =	sdelay $0x1  }
0x6a: {  	[tilespmem:v20+s10+$0x0] =	vst.idx.add.f32.msk $0xffff, v16  }
0x6b: {  	[tilespmem:v17+s11+$0x0] =	vst.idx.add.f32.msk $0xffff, v18  }
0x6c: {  	v16 =	vld.idx.msk [tilespmem:v21+s1+$0x0], $0xffff  }
0x6d: {  	v17 =	vld.idx.msk [tilespmem:v19+s1+$0x0], $0xffff;
	_ =	sdelay $0x3  }
0x6e: {  	v18 =	vld.idx.msk [tilespmem:v21+s5+$0x0], $0xffff;
	v16 =	vadd.s32 v5, v16  }
0x6f: {  	v19 =	vld.idx.msk [tilespmem:v19+s5+$0x0], $0xffff;
	v17 =	vadd.s32 v5, v17;
	_ =	sdelay $0x3  }
0x70: {  	[tilespmem:v16+s10+$0x0] =	vst.idx.add.f32.msk $0xffff, v18  }
0x71: {  	[tilespmem:v17+s11+$0x0] =	vst.idx.add.f32.msk $0xffff, v19  }
0x72: {  	s16 =	simm.s32 $0x0;
	_ =	swait.ge [sflag:s12], $0x2000  }
0x73: {  	v16 =	vadd.s32 s16, v0;
	[sflag:s12] =	ssyncset.done $0x0  }
0x74: {  	vm0 =	vgt.u32 v16, $0x31;
	v17 =	vadd.s32 s16, v3;
	[sflag:s12] =	ssyncadd.s32 $0xFFFFE000  }
0x75: {  	v16 =	vsel vm0, v17, v16;
	_ =	swait.ge [sflag:s13], $0x2000  }
0x76: {  	v17 =	vadd.s32 v1, v16;
	[sflag:s13] =	ssyncset.done $0x0  }
0x77: {  	v19 =	vadd.s32 v4, v16;
	s17 =	rddreg [dreg:$0x7];
	[sflag:s13] =	ssyncadd.s32 $0xFFFFE000  }
0x78: {  	[tilespmem:s16], [sflag:$0x1] =	stream.linear.gather [hbm4b:s17+s16], $0x2000, $0x38;
	[tilespmem:$0x18000] =	vst v63  }
0x79: {  	s20 =	rddreg [dreg:$0x8]  }
0x7a: {  	[tilespmem:s5], [sflag:$0x3] =	stream.linear.gather [hbm4b:s20+s16], $0x2000, $0x38;
	[tilespmem:$0x18000] =	vst v63  }
0x7b: {  	v21 =	vld.idx.msk [tilespmem:v17+s8+$0x0], $0xffff  }
0x7c: {  	v18 =	vld.idx.msk [tilespmem:v19+s8+$0x0], $0xffff;
	_ =	sdelay $0x1  }
0x7d: {  	s16 =	simm.s32 $0x1  }
0x7e: {  	v20 =	vadd.s32 s16, v0;
	v17 =	vld.idx.msk [tilespmem:v17+s9+$0x0], $0xffff  }
0x7f: {  	s17 =	simm.s32 $0x2;
	v22 =	vadd.s32 s16, v3;
	v19 =	vld.idx.msk [tilespmem:v19+s9+$0x0], $0xffff;
	vm0 =	vgt.u32 v20, $0x31;
	v21 =	vadd.s32 v4, v21  }
.LBB2_8:
0x80: {  	p0 =	sne.s32 s17, $0x31;
	v20 =	vsel vm0, v22, v20;
	v18 =	vadd.s32 v4, v18  }
0x81: {  	v22 =	vadd.s32 v1, v20  }
0x82: {  	v23 =	vadd.s32 v4, v20;
	_ =	sdelay $0x1  }
0x83: {  	[tilespmem:v21+s10+$0x0] =	vst.idx.add.f32.msk $0xffff, v17  }
0x84: {  	[tilespmem:v18+s11+$0x0] =	vst.idx.add.f32.msk $0xffff, v19  }
0x85: {  	v21 =	vld.idx.msk [tilespmem:v22+s8+$0x0], $0xffff  }
0x86: {  	v18 =	vld.idx.msk [tilespmem:v23+s8+$0x0], $0xffff  }
.Ltmp3:
0x87: {  	(pc) =	sbr.rel @p0 .LBB2_8-.Ltmp3, $3  }
0x88: {  	_ =	sdelay $0x1  }
0x89: {  	v20 =	vadd.s32 s17, v0;
	v17 =	vld.idx.msk [tilespmem:v22+s9+$0x0], $0xffff  }
0x8a: {  	vm0 =	vgt.u32 v20, $0x31;
	v22 =	vadd.s32 s17, v3;
	s17 =	sadd.s32 $0x1, s17;
	v21 =	vadd.s32 v4, v21;
	v19 =	vld.idx.msk [tilespmem:v23+s9+$0x0], $0xffff  }
0x8b: {  	v20 =	vsel vm0, v22, v20;
	v18 =	vadd.s32 v4, v18  }
0x8c: {  	v22 =	vadd.s32 v1, v20  }
0x8d: {  	v20 =	vadd.s32 v4, v20;
	_ =	sdelay $0x1  }
0x8e: {  	[tilespmem:v21+s10+$0x0] =	vst.idx.add.f32.msk $0xffff, v17  }
0x8f: {  	[tilespmem:v18+s11+$0x0] =	vst.idx.add.f32.msk $0xffff, v19  }
0x90: {  	v17 =	vld.idx.msk [tilespmem:v22+s8+$0x0], $0xffff  }
0x91: {  	v18 =	vld.idx.msk [tilespmem:v20+s8+$0x0], $0xffff;
	_ =	sdelay $0x3  }
0x92: {  	v19 =	vld.idx.msk [tilespmem:v22+s9+$0x0], $0xffff;
	v17 =	vadd.s32 v4, v17  }
0x93: {  	v20 =	vld.idx.msk [tilespmem:v20+s9+$0x0], $0xffff;
	v18 =	vadd.s32 v4, v18  }
0x94: {  	v21 =	vadd.s32 v5, v16  }
0x95: {  	v22 =	vadd.s32 v6, v16;
	_ =	sdelay $0x1  }
0x96: {  	[tilespmem:v17+s10+$0x0] =	vst.idx.add.f32.msk $0xffff, v19  }
0x97: {  	[tilespmem:v18+s11+$0x0] =	vst.idx.add.f32.msk $0xffff, v20  }
0x98: {  	v20 =	vld.idx.msk [tilespmem:v21+s8+$0x0], $0xffff  }
0x99: {  	v17 =	vld.idx.msk [tilespmem:v22+s8+$0x0], $0xffff;
	_ =	sdelay $0x2  }
0x9a: {  	v19 =	vadd.s32 s16, v0;
	v16 =	vld.idx.msk [tilespmem:v21+s9+$0x0], $0xffff  }
0x9b: {  	vm0 =	vgt.u32 v19, $0x31;
	v21 =	vadd.s32 s16, v3;
	s16 =	simm.s32 $0x2;
	v18 =	vld.idx.msk [tilespmem:v22+s9+$0x0], $0xffff;
	v20 =	vadd.s32 v6, v20  }
.LBB2_10:
0x9c: {  	p0 =	sne.s32 s16, $0x31;
	v19 =	vsel vm0, v21, v19;
	v17 =	vadd.s32 v6, v17  }
0x9d: {  	v21 =	vadd.s32 v5, v19  }
0x9e: {  	v22 =	vadd.s32 v6, v19;
	_ =	sdelay $0x1  }
0x9f: {  	[tilespmem:v20+s10+$0x0] =	vst.idx.add.f32.msk $0xffff, v16  }
0xa0: {  	[tilespmem:v17+s11+$0x0] =	vst.idx.add.f32.msk $0xffff, v18  }
0xa1: {  	v20 =	vld.idx.msk [tilespmem:v21+s8+$0x0], $0xffff  }
0xa2: {  	v17 =	vld.idx.msk [tilespmem:v22+s8+$0x0], $0xffff  }
.Ltmp4:
0xa3: {  	(pc) =	sbr.rel @p0 .LBB2_10-.Ltmp4, $3  }
0xa4: {  	_ =	sdelay $0x1  }
0xa5: {  	v19 =	vadd.s32 s16, v0;
	v16 =	vld.idx.msk [tilespmem:v21+s9+$0x0], $0xffff  }
0xa6: {  	vm0 =	vgt.u32 v19, $0x31;
	v21 =	vadd.s32 s16, v3;
	s16 =	sadd.s32 $0x1, s16;
	v20 =	vadd.s32 v6, v20;
	v18 =	vld.idx.msk [tilespmem:v22+s9+$0x0], $0xffff  }
0xa7: {  	v19 =	vsel vm0, v21, v19;
	v17 =	vadd.s32 v6, v17  }
0xa8: {  	v21 =	vadd.s32 v5, v19  }
0xa9: {  	v19 =	vadd.s32 v6, v19;
	_ =	sdelay $0x1  }
0xaa: {  	[tilespmem:v20+s10+$0x0] =	vst.idx.add.f32.msk $0xffff, v16  }
0xab: {  	[tilespmem:v17+s11+$0x0] =	vst.idx.add.f32.msk $0xffff, v18  }
0xac: {  	v16 =	vld.idx.msk [tilespmem:v21+s8+$0x0], $0xffff  }
0xad: {  	v17 =	vld.idx.msk [tilespmem:v19+s8+$0x0], $0xffff;
	_ =	sdelay $0x3  }
0xae: {  	v18 =	vld.idx.msk [tilespmem:v21+s9+$0x0], $0xffff;
	v16 =	vadd.s32 v6, v16  }
0xaf: {  	v19 =	vld.idx.msk [tilespmem:v19+s9+$0x0], $0xffff;
	v17 =	vadd.s32 v6, v17;
	_ =	sdelay $0x3  }
0xb0: {  	[tilespmem:v16+s10+$0x0] =	vst.idx.add.f32.msk $0xffff, v18  }
0xb1: {  	[tilespmem:v17+s11+$0x0] =	vst.idx.add.f32.msk $0xffff, v19  }
0xb2: {  	s16 =	simm.s32 $0x0;
	_ =	swait.ge [sflag:s6], $0x2000  }
0xb3: {  	v16 =	vadd.s32 s16, v0;
	[sflag:s6] =	ssyncset.done $0x0  }
0xb4: {  	vm0 =	vgt.u32 v16, $0x31;
	v17 =	vadd.s32 s16, v3;
	[sflag:s6] =	ssyncadd.s32 $0xFFFFE000  }
0xb5: {  	v16 =	vsel vm0, v17, v16;
	_ =	swait.ge [sflag:s7], $0x2000  }
0xb6: {  	v17 =	vadd.s32 v1, v16;
	[sflag:s7] =	ssyncset.done $0x0  }
0xb7: {  	v19 =	vadd.s32 v4, v16;
	s17 =	rddreg [dreg:$0x9];
	[sflag:s7] =	ssyncadd.s32 $0xFFFFE000  }
0xb8: {  	[tilespmem:s8], [sflag:$0x2] =	stream.linear.gather [hbm4b:s17+s16], $0x2000, $0x38;
	[tilespmem:$0x18000] =	vst v63  }
0xb9: {  	s20 =	rddreg [dreg:$0xa]  }
0xba: {  	[tilespmem:s9], [sflag:$0x4] =	stream.linear.gather [hbm4b:s20+s16], $0x2000, $0x38;
	[tilespmem:$0x18000] =	vst v63  }
0xbb: {  	v21 =	vld.idx.msk [tilespmem:v17+s16+$0x0], $0xffff  }
0xbc: {  	v18 =	vld.idx.msk [tilespmem:v19+s16+$0x0], $0xffff;
	_ =	sdelay $0x1  }
0xbd: {  	s17 =	simm.s32 $0x1  }
0xbe: {  	v20 =	vadd.s32 s17, v0;
	v17 =	vld.idx.msk [tilespmem:v17+s5+$0x0], $0xffff  }
0xbf: {  	v22 =	vadd.s32 s17, v3;
	vm0 =	vgt.u32 v20, $0x31;
	s20 =	simm.s32 $0x2;
	v19 =	vld.idx.msk [tilespmem:v19+s5+$0x0], $0xffff;
	v21 =	vadd.s32 v7, v21  }
.LBB2_12:
0xc0: {  	p0 =	sne.s32 s20, $0x31;
	v20 =	vsel vm0, v22, v20;
	v18 =	vadd.s32 v7, v18  }
0xc1: {  	v22 =	vadd.s32 v1, v20  }
0xc2: {  	v23 =	vadd.s32 v4, v20;
	_ =	sdelay $0x1  }
0xc3: {  	[tilespmem:v21+s10+$0x0] =	vst.idx.add.f32.msk $0xffff, v17  }
0xc4: {  	[tilespmem:v18+s11+$0x0] =	vst.idx.add.f32.msk $0xffff, v19  }
0xc5: {  	v21 =	vld.idx.msk [tilespmem:v22+s16+$0x0], $0xffff  }
0xc6: {  	v18 =	vld.idx.msk [tilespmem:v23+s16+$0x0], $0xffff  }
.Ltmp5:
0xc7: {  	(pc) =	sbr.rel @p0 .LBB2_12-.Ltmp5, $3  }
0xc8: {  	_ =	sdelay $0x1  }
0xc9: {  	v20 =	vadd.s32 s20, v0;
	v17 =	vld.idx.msk [tilespmem:v22+s5+$0x0], $0xffff  }
0xca: {  	vm0 =	vgt.u32 v20, $0x31;
	v22 =	vadd.s32 s20, v3;
	s20 =	sadd.s32 $0x1, s20;
	v21 =	vadd.s32 v7, v21;
	v19 =	vld.idx.msk [tilespmem:v23+s5+$0x0], $0xffff  }
0xcb: {  	v20 =	vsel vm0, v22, v20;
	v18 =	vadd.s32 v7, v18  }
0xcc: {  	v22 =	vadd.s32 v1, v20  }
0xcd: {  	v20 =	vadd.s32 v4, v20;
	_ =	sdelay $0x1  }
0xce: {  	[tilespmem:v21+s10+$0x0] =	vst.idx.add.f32.msk $0xffff, v17  }
0xcf: {  	[tilespmem:v18+s11+$0x0] =	vst.idx.add.f32.msk $0xffff, v19  }
0xd0: {  	v17 =	vld.idx.msk [tilespmem:v22+s16+$0x0], $0xffff  }
0xd1: {  	v18 =	vld.idx.msk [tilespmem:v20+s16+$0x0], $0xffff;
	_ =	sdelay $0x3  }
0xd2: {  	v19 =	vld.idx.msk [tilespmem:v22+s5+$0x0], $0xffff;
	v17 =	vadd.s32 v7, v17  }
0xd3: {  	v20 =	vld.idx.msk [tilespmem:v20+s5+$0x0], $0xffff;
	v18 =	vadd.s32 v7, v18  }
0xd4: {  	v21 =	vadd.s32 v5, v16  }
0xd5: {  	v22 =	vadd.s32 v6, v16;
	_ =	sdelay $0x1  }
0xd6: {  	[tilespmem:v17+s10+$0x0] =	vst.idx.add.f32.msk $0xffff, v19  }
0xd7: {  	[tilespmem:v18+s11+$0x0] =	vst.idx.add.f32.msk $0xffff, v20  }
0xd8: {  	v20 =	vld.idx.msk [tilespmem:v21+s1+$0x0], $0xffff  }
0xd9: {  	v17 =	vld.idx.msk [tilespmem:v22+s1+$0x0], $0xffff;
	_ =	sdelay $0x2  }
0xda: {  	v19 =	vadd.s32 s17, v0;
	v16 =	vld.idx.msk [tilespmem:v21+s5+$0x0], $0xffff  }
0xdb: {  	s16 =	simm.s32 $0x2;
	vm0 =	vgt.u32 v19, $0x31;
	v21 =	vadd.s32 s17, v3;
	v18 =	vld.idx.msk [tilespmem:v22+s5+$0x0], $0xffff;
	v20 =	vadd.s32 v8, v20  }
.LBB2_14:
0xdc: {  	p0 =	sne.s32 s16, $0x31;
	v19 =	vsel vm0, v21, v19;
	v17 =	vadd.s32 v8, v17  }
0xdd: {  	v21 =	vadd.s32 v5, v19  }
0xde: {  	v22 =	vadd.s32 v6, v19;
	_ =	sdelay $0x1  }
0xdf: {  	[tilespmem:v20+s10+$0x0] =	vst.idx.add.f32.msk $0xffff, v16  }
0xe0: {  	[tilespmem:v17+s11+$0x0] =	vst.idx.add.f32.msk $0xffff, v18  }
0xe1: {  	v20 =	vld.idx.msk [tilespmem:v21+s1+$0x0], $0xffff  }
0xe2: {  	v17 =	vld.idx.msk [tilespmem:v22+s1+$0x0], $0xffff  }
.Ltmp6:
0xe3: {  	(pc) =	sbr.rel @p0 .LBB2_14-.Ltmp6, $3  }
0xe4: {  	_ =	sdelay $0x1  }
0xe5: {  	v19 =	vadd.s32 s16, v0;
	v16 =	vld.idx.msk [tilespmem:v21+s5+$0x0], $0xffff  }
0xe6: {  	vm0 =	vgt.u32 v19, $0x31;
	v21 =	vadd.s32 s16, v3;
	s16 =	sadd.s32 $0x1, s16;
	v20 =	vadd.s32 v8, v20;
	v18 =	vld.idx.msk [tilespmem:v22+s5+$0x0], $0xffff  }
0xe7: {  	v19 =	vsel vm0, v21, v19;
	v17 =	vadd.s32 v8, v17  }
0xe8: {  	v21 =	vadd.s32 v5, v19  }
0xe9: {  	v19 =	vadd.s32 v6, v19;
	_ =	sdelay $0x1  }
0xea: {  	[tilespmem:v20+s10+$0x0] =	vst.idx.add.f32.msk $0xffff, v16  }
0xeb: {  	[tilespmem:v17+s11+$0x0] =	vst.idx.add.f32.msk $0xffff, v18  }
0xec: {  	v16 =	vld.idx.msk [tilespmem:v21+s1+$0x0], $0xffff  }
0xed: {  	v17 =	vld.idx.msk [tilespmem:v19+s1+$0x0], $0xffff;
	_ =	sdelay $0x3  }
0xee: {  	v18 =	vld.idx.msk [tilespmem:v21+s5+$0x0], $0xffff;
	v16 =	vadd.s32 v8, v16  }
0xef: {  	v19 =	vld.idx.msk [tilespmem:v19+s5+$0x0], $0xffff;
	v17 =	vadd.s32 v8, v17;
	_ =	sdelay $0x3  }
0xf0: {  	[tilespmem:v16+s10+$0x0] =	vst.idx.add.f32.msk $0xffff, v18  }
0xf1: {  	[tilespmem:v17+s11+$0x0] =	vst.idx.add.f32.msk $0xffff, v19  }
0xf2: {  	s16 =	simm.s32 $0x0;
	_ =	swait.ge [sflag:s12], $0x2000  }
0xf3: {  	v16 =	vadd.s32 s16, v0;
	[sflag:s12] =	ssyncset.done $0x0  }
0xf4: {  	vm0 =	vgt.u32 v16, $0x31;
	v17 =	vadd.s32 s16, v3;
	[sflag:s12] =	ssyncadd.s32 $0xFFFFE000  }
0xf5: {  	v16 =	vsel vm0, v17, v16;
	_ =	swait.ge [sflag:s13], $0x2000  }
0xf6: {  	v17 =	vadd.s32 v1, v16;
	[sflag:s13] =	ssyncset.done $0x0  }
0xf7: {  	v19 =	vadd.s32 v4, v16;
	s17 =	rddreg [dreg:$0xb];
	[sflag:s13] =	ssyncadd.s32 $0xFFFFE000  }
0xf8: {  	[tilespmem:s16], [sflag:$0x1] =	stream.linear.gather [hbm4b:s17+s16], $0x2000, $0x38;
	[tilespmem:$0x18000] =	vst v63  }
0xf9: {  	s20 =	rddreg [dreg:$0xc]  }
0xfa: {  	[tilespmem:s5], [sflag:$0x3] =	stream.linear.gather [hbm4b:s20+s16], $0x2000, $0x38;
	[tilespmem:$0x18000] =	vst v63  }
0xfb: {  	v21 =	vld.idx.msk [tilespmem:v17+s8+$0x0], $0xffff  }
0xfc: {  	v18 =	vld.idx.msk [tilespmem:v19+s8+$0x0], $0xffff;
	_ =	sdelay $0x1  }
0xfd: {  	s16 =	simm.s32 $0x1  }
0xfe: {  	v20 =	vadd.s32 s16, v0;
	v17 =	vld.idx.msk [tilespmem:v17+s9+$0x0], $0xffff  }
0xff: {  	s17 =	simm.s32 $0x2;
	v22 =	vadd.s32 s16, v3;
	v19 =	vld.idx.msk [tilespmem:v19+s9+$0x0], $0xffff;
	vm0 =	vgt.u32 v20, $0x31;
	v21 =	vadd.s32 v9, v21  }
.LBB2_16:
0x100: {  	p0 =	sne.s32 s17, $0x31;
	v20 =	vsel vm0, v22, v20;
	v18 =	vadd.s32 v9, v18  }
0x101: {  	v22 =	vadd.s32 v1, v20  }
0x102: {  	v23 =	vadd.s32 v4, v20;
	_ =	sdelay $0x1  }
0x103: {  	[tilespmem:v21+s10+$0x0] =	vst.idx.add.f32.msk $0xffff, v17  }
0x104: {  	[tilespmem:v18+s11+$0x0] =	vst.idx.add.f32.msk $0xffff, v19  }
0x105: {  	v21 =	vld.idx.msk [tilespmem:v22+s8+$0x0], $0xffff  }
0x106: {  	v18 =	vld.idx.msk [tilespmem:v23+s8+$0x0], $0xffff  }
.Ltmp7:
0x107: {  	(pc) =	sbr.rel @p0 .LBB2_16-.Ltmp7, $3  }
0x108: {  	_ =	sdelay $0x1  }
0x109: {  	v20 =	vadd.s32 s17, v0;
	v17 =	vld.idx.msk [tilespmem:v22+s9+$0x0], $0xffff  }
0x10a: {  	vm0 =	vgt.u32 v20, $0x31;
	v22 =	vadd.s32 s17, v3;
	s17 =	sadd.s32 $0x1, s17;
	v21 =	vadd.s32 v9, v21;
	v19 =	vld.idx.msk [tilespmem:v23+s9+$0x0], $0xffff  }
0x10b: {  	v20 =	vsel vm0, v22, v20;
	v18 =	vadd.s32 v9, v18  }
0x10c: {  	v22 =	vadd.s32 v1, v20  }
0x10d: {  	v20 =	vadd.s32 v4, v20;
	_ =	sdelay $0x1  }
0x10e: {  	[tilespmem:v21+s10+$0x0] =	vst.idx.add.f32.msk $0xffff, v17  }
0x10f: {  	[tilespmem:v18+s11+$0x0] =	vst.idx.add.f32.msk $0xffff, v19  }
0x110: {  	v17 =	vld.idx.msk [tilespmem:v22+s8+$0x0], $0xffff  }
0x111: {  	v18 =	vld.idx.msk [tilespmem:v20+s8+$0x0], $0xffff;
	_ =	sdelay $0x3  }
0x112: {  	v19 =	vld.idx.msk [tilespmem:v22+s9+$0x0], $0xffff;
	v17 =	vadd.s32 v9, v17  }
0x113: {  	v20 =	vld.idx.msk [tilespmem:v20+s9+$0x0], $0xffff;
	v18 =	vadd.s32 v9, v18  }
0x114: {  	v21 =	vadd.s32 v5, v16  }
0x115: {  	v22 =	vadd.s32 v6, v16;
	_ =	sdelay $0x1  }
0x116: {  	[tilespmem:v17+s10+$0x0] =	vst.idx.add.f32.msk $0xffff, v19  }
0x117: {  	[tilespmem:v18+s11+$0x0] =	vst.idx.add.f32.msk $0xffff, v20  }
0x118: {  	v20 =	vld.idx.msk [tilespmem:v21+s8+$0x0], $0xffff  }
0x119: {  	v17 =	vld.idx.msk [tilespmem:v22+s8+$0x0], $0xffff;
	_ =	sdelay $0x2  }
0x11a: {  	v19 =	vadd.s32 s16, v0;
	v16 =	vld.idx.msk [tilespmem:v21+s9+$0x0], $0xffff  }
0x11b: {  	vm0 =	vgt.u32 v19, $0x31;
	v21 =	vadd.s32 s16, v3;
	s16 =	simm.s32 $0x2;
	v18 =	vld.idx.msk [tilespmem:v22+s9+$0x0], $0xffff;
	v20 =	vadd.s32 v10, v20  }
.LBB2_18:
0x11c: {  	p0 =	sne.s32 s16, $0x31;
	v19 =	vsel vm0, v21, v19;
	v17 =	vadd.s32 v10, v17  }
0x11d: {  	v21 =	vadd.s32 v5, v19  }
0x11e: {  	v22 =	vadd.s32 v6, v19;
	_ =	sdelay $0x1  }
0x11f: {  	[tilespmem:v20+s10+$0x0] =	vst.idx.add.f32.msk $0xffff, v16  }
0x120: {  	[tilespmem:v17+s11+$0x0] =	vst.idx.add.f32.msk $0xffff, v18  }
0x121: {  	v20 =	vld.idx.msk [tilespmem:v21+s8+$0x0], $0xffff  }
0x122: {  	v17 =	vld.idx.msk [tilespmem:v22+s8+$0x0], $0xffff  }
.Ltmp8:
0x123: {  	(pc) =	sbr.rel @p0 .LBB2_18-.Ltmp8, $3  }
0x124: {  	_ =	sdelay $0x1  }
0x125: {  	v19 =	vadd.s32 s16, v0;
	v16 =	vld.idx.msk [tilespmem:v21+s9+$0x0], $0xffff  }
0x126: {  	vm0 =	vgt.u32 v19, $0x31;
	v21 =	vadd.s32 s16, v3;
	s16 =	sadd.s32 $0x1, s16;
	v20 =	vadd.s32 v10, v20;
	v18 =	vld.idx.msk [tilespmem:v22+s9+$0x0], $0xffff  }
0x127: {  	v19 =	vsel vm0, v21, v19;
	v17 =	vadd.s32 v10, v17  }
0x128: {  	v21 =	vadd.s32 v5, v19  }
0x129: {  	v19 =	vadd.s32 v6, v19;
	_ =	sdelay $0x1  }
0x12a: {  	[tilespmem:v20+s10+$0x0] =	vst.idx.add.f32.msk $0xffff, v16  }
0x12b: {  	[tilespmem:v17+s11+$0x0] =	vst.idx.add.f32.msk $0xffff, v18  }
0x12c: {  	v16 =	vld.idx.msk [tilespmem:v21+s8+$0x0], $0xffff  }
0x12d: {  	v17 =	vld.idx.msk [tilespmem:v19+s8+$0x0], $0xffff;
	_ =	sdelay $0x3  }
0x12e: {  	v18 =	vld.idx.msk [tilespmem:v21+s9+$0x0], $0xffff;
	v16 =	vadd.s32 v10, v16  }
0x12f: {  	v19 =	vld.idx.msk [tilespmem:v19+s9+$0x0], $0xffff;
	v17 =	vadd.s32 v10, v17;
	_ =	sdelay $0x3  }
0x130: {  	[tilespmem:v16+s10+$0x0] =	vst.idx.add.f32.msk $0xffff, v18  }
0x131: {  	[tilespmem:v17+s11+$0x0] =	vst.idx.add.f32.msk $0xffff, v19  }
0x132: {  	s16 =	simm.s32 $0x0;
	_ =	swait.ge [sflag:s6], $0x2000  }
0x133: {  	v16 =	vadd.s32 s16, v0;
	[sflag:s6] =	ssyncset.done $0x0  }
0x134: {  	vm0 =	vgt.u32 v16, $0x31;
	v17 =	vadd.s32 s16, v3;
	[sflag:s6] =	ssyncadd.s32 $0xFFFFE000  }
0x135: {  	v16 =	vsel vm0, v17, v16;
	_ =	swait.ge [sflag:s7], $0x2000  }
0x136: {  	v17 =	vadd.s32 v1, v16;
	[sflag:s7] =	ssyncset.done $0x0  }
0x137: {  	v19 =	vadd.s32 v4, v16;
	s17 =	rddreg [dreg:$0xd];
	[sflag:s7] =	ssyncadd.s32 $0xFFFFE000  }
0x138: {  	[tilespmem:s8], [sflag:$0x2] =	stream.linear.gather [hbm4b:s17+s16], $0x2000, $0x38;
	[tilespmem:$0x18000] =	vst v63  }
0x139: {  	s20 =	rddreg [dreg:$0x10]  }
0x13a: {  	[tilespmem:s9], [sflag:$0x4] =	stream.linear.gather [hbm4b:s20+s16], $0x2000, $0x38;
	[tilespmem:$0x18000] =	vst v63  }
0x13b: {  	v21 =	vld.idx.msk [tilespmem:v17+s16+$0x0], $0xffff  }
0x13c: {  	v18 =	vld.idx.msk [tilespmem:v19+s16+$0x0], $0xffff;
	_ =	sdelay $0x1  }
0x13d: {  	s17 =	simm.s32 $0x1  }
0x13e: {  	v20 =	vadd.s32 s17, v0;
	v17 =	vld.idx.msk [tilespmem:v17+s5+$0x0], $0xffff  }
0x13f: {  	v22 =	vadd.s32 s17, v3;
	vm0 =	vgt.u32 v20, $0x31;
	s20 =	simm.s32 $0x2;
	v19 =	vld.idx.msk [tilespmem:v19+s5+$0x0], $0xffff;
	v21 =	vadd.s32 v11, v21  }
.LBB2_20:
0x140: {  	p0 =	sne.s32 s20, $0x31;
	v20 =	vsel vm0, v22, v20;
	v18 =	vadd.s32 v11, v18  }
0x141: {  	v22 =	vadd.s32 v1, v20  }
0x142: {  	v23 =	vadd.s32 v4, v20;
	_ =	sdelay $0x1  }
0x143: {  	[tilespmem:v21+s10+$0x0] =	vst.idx.add.f32.msk $0xffff, v17  }
0x144: {  	[tilespmem:v18+s11+$0x0] =	vst.idx.add.f32.msk $0xffff, v19  }
0x145: {  	v21 =	vld.idx.msk [tilespmem:v22+s16+$0x0], $0xffff  }
0x146: {  	v18 =	vld.idx.msk [tilespmem:v23+s16+$0x0], $0xffff  }
.Ltmp9:
0x147: {  	(pc) =	sbr.rel @p0 .LBB2_20-.Ltmp9, $3  }
0x148: {  	_ =	sdelay $0x1  }
0x149: {  	v20 =	vadd.s32 s20, v0;
	v17 =	vld.idx.msk [tilespmem:v22+s5+$0x0], $0xffff  }
0x14a: {  	vm0 =	vgt.u32 v20, $0x31;
	v22 =	vadd.s32 s20, v3;
	s20 =	sadd.s32 $0x1, s20;
	v21 =	vadd.s32 v11, v21;
	v19 =	vld.idx.msk [tilespmem:v23+s5+$0x0], $0xffff  }
0x14b: {  	v20 =	vsel vm0, v22, v20;
	v18 =	vadd.s32 v11, v18  }
0x14c: {  	v22 =	vadd.s32 v1, v20  }
0x14d: {  	v20 =	vadd.s32 v4, v20;
	_ =	sdelay $0x1  }
0x14e: {  	[tilespmem:v21+s10+$0x0] =	vst.idx.add.f32.msk $0xffff, v17  }
0x14f: {  	[tilespmem:v18+s11+$0x0] =	vst.idx.add.f32.msk $0xffff, v19  }
0x150: {  	v17 =	vld.idx.msk [tilespmem:v22+s16+$0x0], $0xffff  }
0x151: {  	v18 =	vld.idx.msk [tilespmem:v20+s16+$0x0], $0xffff;
	_ =	sdelay $0x3  }
0x152: {  	v19 =	vld.idx.msk [tilespmem:v22+s5+$0x0], $0xffff;
	v17 =	vadd.s32 v11, v17  }
0x153: {  	v20 =	vld.idx.msk [tilespmem:v20+s5+$0x0], $0xffff;
	v18 =	vadd.s32 v11, v18  }
0x154: {  	v21 =	vadd.s32 v5, v16  }
0x155: {  	v22 =	vadd.s32 v6, v16;
	_ =	sdelay $0x1  }
0x156: {  	[tilespmem:v17+s10+$0x0] =	vst.idx.add.f32.msk $0xffff, v19  }
0x157: {  	[tilespmem:v18+s11+$0x0] =	vst.idx.add.f32.msk $0xffff, v20  }
0x158: {  	v20 =	vld.idx.msk [tilespmem:v21+s1+$0x0], $0xffff  }
0x159: {  	v17 =	vld.idx.msk [tilespmem:v22+s1+$0x0], $0xffff;
	_ =	sdelay $0x2  }
0x15a: {  	v19 =	vadd.s32 s17, v0;
	v16 =	vld.idx.msk [tilespmem:v21+s5+$0x0], $0xffff  }
0x15b: {  	s16 =	simm.s32 $0x2;
	vm0 =	vgt.u32 v19, $0x31;
	v21 =	vadd.s32 s17, v3;
	v18 =	vld.idx.msk [tilespmem:v22+s5+$0x0], $0xffff;
	v20 =	vadd.s32 v12, v20  }
.LBB2_22:
0x15c: {  	p0 =	sne.s32 s16, $0x31;
	v19 =	vsel vm0, v21, v19;
	v17 =	vadd.s32 v12, v17  }
0x15d: {  	v21 =	vadd.s32 v5, v19  }
0x15e: {  	v22 =	vadd.s32 v6, v19;
	_ =	sdelay $0x1  }
0x15f: {  	[tilespmem:v20+s10+$0x0] =	vst.idx.add.f32.msk $0xffff, v16  }
0x160: {  	[tilespmem:v17+s11+$0x0] =	vst.idx.add.f32.msk $0xffff, v18  }
0x161: {  	v20 =	vld.idx.msk [tilespmem:v21+s1+$0x0], $0xffff  }
0x162: {  	v17 =	vld.idx.msk [tilespmem:v22+s1+$0x0], $0xffff  }
.Ltmp10:
0x163: {  	(pc) =	sbr.rel @p0 .LBB2_22-.Ltmp10, $3  }
0x164: {  	_ =	sdelay $0x1  }
0x165: {  	v19 =	vadd.s32 s16, v0;
	v16 =	vld.idx.msk [tilespmem:v21+s5+$0x0], $0xffff  }
0x166: {  	vm0 =	vgt.u32 v19, $0x31;
	v21 =	vadd.s32 s16, v3;
	s16 =	sadd.s32 $0x1, s16;
	v20 =	vadd.s32 v12, v20;
	v18 =	vld.idx.msk [tilespmem:v22+s5+$0x0], $0xffff  }
0x167: {  	v19 =	vsel vm0, v21, v19;
	v17 =	vadd.s32 v12, v17  }
0x168: {  	v21 =	vadd.s32 v5, v19  }
0x169: {  	v19 =	vadd.s32 v6, v19;
	_ =	sdelay $0x1  }
0x16a: {  	[tilespmem:v20+s10+$0x0] =	vst.idx.add.f32.msk $0xffff, v16  }
0x16b: {  	[tilespmem:v17+s11+$0x0] =	vst.idx.add.f32.msk $0xffff, v18  }
0x16c: {  	v16 =	vld.idx.msk [tilespmem:v21+s1+$0x0], $0xffff  }
0x16d: {  	v17 =	vld.idx.msk [tilespmem:v19+s1+$0x0], $0xffff;
	_ =	sdelay $0x3  }
0x16e: {  	v18 =	vld.idx.msk [tilespmem:v21+s5+$0x0], $0xffff;
	v16 =	vadd.s32 v12, v16  }
0x16f: {  	v19 =	vld.idx.msk [tilespmem:v19+s5+$0x0], $0xffff;
	v17 =	vadd.s32 v12, v17;
	_ =	sdelay $0x3  }
0x170: {  	[tilespmem:v16+s10+$0x0] =	vst.idx.add.f32.msk $0xffff, v18  }
0x171: {  	[tilespmem:v17+s11+$0x0] =	vst.idx.add.f32.msk $0xffff, v19  }
0x172: {  	s16 =	simm.s32 $0x0;
	_ =	swait.ge [sflag:s12], $0x2000  }
0x173: {  	v16 =	vadd.s32 s16, v0;
	[sflag:s12] =	ssyncset.done $0x0  }
0x174: {  	vm0 =	vgt.u32 v16, $0x31;
	v17 =	vadd.s32 s16, v3;
	[sflag:s12] =	ssyncadd.s32 $0xFFFFE000  }
0x175: {  	v16 =	vsel vm0, v17, v16;
	_ =	swait.ge [sflag:s13], $0x2000  }
0x176: {  	v17 =	vadd.s32 v1, v16;
	[sflag:s13] =	ssyncset.done $0x0  }
0x177: {  	v19 =	vadd.s32 v4, v16;
	s17 =	rddreg [dreg:$0xe];
	[sflag:s13] =	ssyncadd.s32 $0xFFFFE000  }
0x178: {  	[tilespmem:s16], [sflag:$0x1] =	stream.linear.gather [hbm4b:s17+s16], $0x2000, $0x38;
	[tilespmem:$0x18000] =	vst v63  }
0x179: {  	s20 =	rddreg [dreg:$0x11]  }
0x17a: {  	[tilespmem:s5], [sflag:$0x3] =	stream.linear.gather [hbm4b:s20+s16], $0x2000, $0x38;
	[tilespmem:$0x18000] =	vst v63  }
0x17b: {  	v21 =	vld.idx.msk [tilespmem:v17+s8+$0x0], $0xffff  }
0x17c: {  	v18 =	vld.idx.msk [tilespmem:v19+s8+$0x0], $0xffff;
	_ =	sdelay $0x1  }
0x17d: {  	s16 =	simm.s32 $0x1  }
0x17e: {  	v20 =	vadd.s32 s16, v0;
	v17 =	vld.idx.msk [tilespmem:v17+s9+$0x0], $0xffff  }
0x17f: {  	s17 =	simm.s32 $0x2;
	v22 =	vadd.s32 s16, v3;
	v19 =	vld.idx.msk [tilespmem:v19+s9+$0x0], $0xffff;
	vm0 =	vgt.u32 v20, $0x31;
	v21 =	vadd.s32 v13, v21  }
.LBB2_24:
0x180: {  	p0 =	sne.s32 s17, $0x31;
	v20 =	vsel vm0, v22, v20;
	v18 =	vadd.s32 v13, v18  }
0x181: {  	v22 =	vadd.s32 v1, v20  }
0x182: {  	v23 =	vadd.s32 v4, v20;
	_ =	sdelay $0x1  }
0x183: {  	[tilespmem:v21+s10+$0x0] =	vst.idx.add.f32.msk $0xffff, v17  }
0x184: {  	[tilespmem:v18+s11+$0x0] =	vst.idx.add.f32.msk $0xffff, v19  }
0x185: {  	v21 =	vld.idx.msk [tilespmem:v22+s8+$0x0], $0xffff  }
0x186: {  	v18 =	vld.idx.msk [tilespmem:v23+s8+$0x0], $0xffff  }
.Ltmp11:
0x187: {  	(pc) =	sbr.rel @p0 .LBB2_24-.Ltmp11, $3  }
0x188: {  	_ =	sdelay $0x1  }
0x189: {  	v20 =	vadd.s32 s17, v0;
	v17 =	vld.idx.msk [tilespmem:v22+s9+$0x0], $0xffff  }
0x18a: {  	vm0 =	vgt.u32 v20, $0x31;
	v22 =	vadd.s32 s17, v3;
	s17 =	sadd.s32 $0x1, s17;
	v21 =	vadd.s32 v13, v21;
	v19 =	vld.idx.msk [tilespmem:v23+s9+$0x0], $0xffff  }
0x18b: {  	v20 =	vsel vm0, v22, v20;
	v18 =	vadd.s32 v13, v18  }
0x18c: {  	v22 =	vadd.s32 v1, v20  }
0x18d: {  	v20 =	vadd.s32 v4, v20;
	_ =	sdelay $0x1  }
0x18e: {  	[tilespmem:v21+s10+$0x0] =	vst.idx.add.f32.msk $0xffff, v17  }
0x18f: {  	[tilespmem:v18+s11+$0x0] =	vst.idx.add.f32.msk $0xffff, v19  }
0x190: {  	v17 =	vld.idx.msk [tilespmem:v22+s8+$0x0], $0xffff  }
0x191: {  	v18 =	vld.idx.msk [tilespmem:v20+s8+$0x0], $0xffff;
	_ =	sdelay $0x3  }
0x192: {  	v19 =	vld.idx.msk [tilespmem:v22+s9+$0x0], $0xffff;
	v17 =	vadd.s32 v13, v17  }
0x193: {  	v20 =	vld.idx.msk [tilespmem:v20+s9+$0x0], $0xffff;
	v18 =	vadd.s32 v13, v18  }
0x194: {  	v21 =	vadd.s32 v5, v16  }
0x195: {  	v22 =	vadd.s32 v6, v16;
	_ =	sdelay $0x1  }
0x196: {  	[tilespmem:v17+s10+$0x0] =	vst.idx.add.f32.msk $0xffff, v19  }
0x197: {  	[tilespmem:v18+s11+$0x0] =	vst.idx.add.f32.msk $0xffff, v20  }
0x198: {  	v20 =	vld.idx.msk [tilespmem:v21+s8+$0x0], $0xffff  }
0x199: {  	v17 =	vld.idx.msk [tilespmem:v22+s8+$0x0], $0xffff;
	_ =	sdelay $0x2  }
0x19a: {  	v19 =	vadd.s32 s16, v0;
	v16 =	vld.idx.msk [tilespmem:v21+s9+$0x0], $0xffff  }
0x19b: {  	vm0 =	vgt.u32 v19, $0x31;
	v21 =	vadd.s32 s16, v3;
	s16 =	simm.s32 $0x2;
	v18 =	vld.idx.msk [tilespmem:v22+s9+$0x0], $0xffff;
	v20 =	vadd.s32 v14, v20  }
.LBB2_26:
0x19c: {  	p0 =	sne.s32 s16, $0x31;
	v19 =	vsel vm0, v21, v19;
	v17 =	vadd.s32 v14, v17  }
0x19d: {  	v21 =	vadd.s32 v5, v19  }
0x19e: {  	v22 =	vadd.s32 v6, v19;
	_ =	sdelay $0x1  }
0x19f: {  	[tilespmem:v20+s10+$0x0] =	vst.idx.add.f32.msk $0xffff, v16  }
0x1a0: {  	[tilespmem:v17+s11+$0x0] =	vst.idx.add.f32.msk $0xffff, v18  }
0x1a1: {  	v20 =	vld.idx.msk [tilespmem:v21+s8+$0x0], $0xffff  }
0x1a2: {  	v17 =	vld.idx.msk [tilespmem:v22+s8+$0x0], $0xffff  }
.Ltmp12:
0x1a3: {  	(pc) =	sbr.rel @p0 .LBB2_26-.Ltmp12, $3  }
0x1a4: {  	_ =	sdelay $0x1  }
0x1a5: {  	v19 =	vadd.s32 s16, v0;
	v16 =	vld.idx.msk [tilespmem:v21+s9+$0x0], $0xffff  }
0x1a6: {  	vm0 =	vgt.u32 v19, $0x31;
	v21 =	vadd.s32 s16, v3;
	s16 =	sadd.s32 $0x1, s16;
	v20 =	vadd.s32 v14, v20;
	v18 =	vld.idx.msk [tilespmem:v22+s9+$0x0], $0xffff  }
0x1a7: {  	v19 =	vsel vm0, v21, v19;
	v17 =	vadd.s32 v14, v17  }
0x1a8: {  	v21 =	vadd.s32 v5, v19  }
0x1a9: {  	v19 =	vadd.s32 v6, v19;
	_ =	sdelay $0x1  }
0x1aa: {  	[tilespmem:v20+s10+$0x0] =	vst.idx.add.f32.msk $0xffff, v16  }
0x1ab: {  	[tilespmem:v17+s11+$0x0] =	vst.idx.add.f32.msk $0xffff, v18  }
0x1ac: {  	v16 =	vld.idx.msk [tilespmem:v21+s8+$0x0], $0xffff  }
0x1ad: {  	v17 =	vld.idx.msk [tilespmem:v19+s8+$0x0], $0xffff;
	_ =	sdelay $0x3  }
0x1ae: {  	v18 =	vld.idx.msk [tilespmem:v21+s9+$0x0], $0xffff;
	v16 =	vadd.s32 v14, v16  }
0x1af: {  	v19 =	vld.idx.msk [tilespmem:v19+s9+$0x0], $0xffff;
	v17 =	vadd.s32 v14, v17;
	_ =	sdelay $0x3  }
0x1b0: {  	[tilespmem:v16+s10+$0x0] =	vst.idx.add.f32.msk $0xffff, v18  }
0x1b1: {  	[tilespmem:v17+s11+$0x0] =	vst.idx.add.f32.msk $0xffff, v19  }
0x1b2: {  	s16 =	simm.s32 $0x0;
	_ =	swait.ge [sflag:s6], $0x2000  }
0x1b3: {  	v16 =	vadd.s32 s16, v0;
	[sflag:s6] =	ssyncset.done $0x0  }
0x1b4: {  	vm0 =	vgt.u32 v16, $0x31;
	v17 =	vadd.s32 s16, v3;
	[sflag:s6] =	ssyncadd.s32 $0xFFFFE000  }
0x1b5: {  	v16 =	vsel vm0, v17, v16;
	_ =	swait.ge [sflag:s7], $0x2000  }
0x1b6: {  	v17 =	vadd.s32 v1, v16;
	[sflag:s7] =	ssyncset.done $0x0  }
0x1b7: {  	v19 =	vadd.s32 v4, v16;
	s17 =	rddreg [dreg:$0xf];
	[sflag:s7] =	ssyncadd.s32 $0xFFFFE000  }
0x1b8: {  	[tilespmem:s8], [sflag:$0x2] =	stream.linear.gather [hbm4b:s17+s16], $0x2000, $0x38;
	[tilespmem:$0x18000] =	vst v63  }
0x1b9: {  	s20 =	rddreg [dreg:$0x12]  }
0x1ba: {  	[tilespmem:s9], [sflag:$0x4] =	stream.linear.gather [hbm4b:s20+s16], $0x2000, $0x38;
	[tilespmem:$0x18000] =	vst v63  }
0x1bb: {  	v21 =	vld.idx.msk [tilespmem:v17+s16+$0x0], $0xffff  }
0x1bc: {  	v18 =	vld.idx.msk [tilespmem:v19+s16+$0x0], $0xffff;
	_ =	sdelay $0x1  }
0x1bd: {  	s17 =	simm.s32 $0x1  }
0x1be: {  	v20 =	vadd.s32 s17, v0;
	v17 =	vld.idx.msk [tilespmem:v17+s5+$0x0], $0xffff  }
0x1bf: {  	v22 =	vadd.s32 s17, v3;
	vm0 =	vgt.u32 v20, $0x31;
	s20 =	simm.s32 $0x2;
	v19 =	vld.idx.msk [tilespmem:v19+s5+$0x0], $0xffff;
	v21 =	vadd.s32 v15, v21  }
.LBB2_28:
0x1c0: {  	p0 =	sne.s32 s20, $0x31;
	v20 =	vsel vm0, v22, v20;
	v18 =	vadd.s32 v15, v18  }
0x1c1: {  	v22 =	vadd.s32 v1, v20  }
0x1c2: {  	v23 =	vadd.s32 v4, v20;
	_ =	sdelay $0x1  }
0x1c3: {  	[tilespmem:v21+s10+$0x0] =	vst.idx.add.f32.msk $0xffff, v17  }
0x1c4: {  	[tilespmem:v18+s11+$0x0] =	vst.idx.add.f32.msk $0xffff, v19  }
0x1c5: {  	v21 =	vld.idx.msk [tilespmem:v22+s16+$0x0], $0xffff  }
0x1c6: {  	v18 =	vld.idx.msk [tilespmem:v23+s16+$0x0], $0xffff  }
.Ltmp13:
0x1c7: {  	(pc) =	sbr.rel @p0 .LBB2_28-.Ltmp13, $3  }
0x1c8: {  	_ =	sdelay $0x1  }
0x1c9: {  	v20 =	vadd.s32 s20, v0;
	v17 =	vld.idx.msk [tilespmem:v22+s5+$0x0], $0xffff  }
0x1ca: {  	vm0 =	vgt.u32 v20, $0x31;
	v22 =	vadd.s32 s20, v3;
	s20 =	sadd.s32 $0x1, s20;
	v21 =	vadd.s32 v15, v21;
	v19 =	vld.idx.msk [tilespmem:v23+s5+$0x0], $0xffff  }
0x1cb: {  	v20 =	vsel vm0, v22, v20;
	v18 =	vadd.s32 v15, v18  }
0x1cc: {  	v22 =	vadd.s32 v1, v20;
	_ =	sdelay $0x2  }
0x1cd: {  	v20 =	vadd.s32 v4, v20;
	[tilespmem:v21+s10+$0x0] =	vst.idx.add.f32.msk $0xffff, v17  }
0x1ce: {  	[tilespmem:v18+s11+$0x0] =	vst.idx.add.f32.msk $0xffff, v19  }
0x1cf: {  	v17 =	vld.idx.msk [tilespmem:v22+s16+$0x0], $0xffff;
	_ =	sdelay $0x2  }
0x1d0: {  	v18 =	vld.idx.msk [tilespmem:v20+s16+$0x0], $0xffff;
	_ =	sdelay $0x1  }
0x1d1: {  	v19 =	vld.idx.msk [tilespmem:v22+s5+$0x0], $0xffff;
	v17 =	vadd.s32 v15, v17;
	_ =	sdelay $0x2  }
0x1d2: {  	v20 =	vld.idx.msk [tilespmem:v20+s5+$0x0], $0xffff;
	v18 =	vadd.s32 v15, v18  }
0x1d3: {  	v21 =	vadd.s32 v5, v16  }
0x1d4: {  	[tilespmem:v17+s10+$0x0] =	vst.idx.add.f32.msk $0xffff, v19;
	v19 =	vadd.s32 v6, v16;
	_ =	sdelay $0x2  }
0x1d5: {  	[tilespmem:v18+s11+$0x0] =	vst.idx.add.f32.msk $0xffff, v20  }
0x1d6: {  	v23 =	vld.idx.msk [tilespmem:v21+s1+$0x0], $0xffff  }
0x1d7: {  	v18 =	vld.idx.msk [tilespmem:v19+s1+$0x0], $0xffff;
	_ =	sdelay $0x2  }
0x1d8: {  	v16 =	vor.u32 $0x6800, v1;
	v20 =	vadd.s32 s17, v0;
	v17 =	vld.idx.msk [tilespmem:v21+s5+$0x0], $0xffff  }
0x1d9: {  	v22 =	vadd.s32 s17, v3;
	s16 =	simm.s32 $0x2;
	vm0 =	vgt.u32 v20, $0x31;
	v19 =	vld.idx.msk [tilespmem:v19+s5+$0x0], $0xffff;
	v21 =	vadd.s32 v16, v23  }
.LBB2_30:
0x1da: {  	p0 =	sne.s32 s16, $0x31;
	v20 =	vsel vm0, v22, v20;
	v18 =	vadd.s32 v16, v18  }
0x1db: {  	v22 =	vadd.s32 v5, v20  }
0x1dc: {  	v23 =	vadd.s32 v6, v20;
	_ =	sdelay $0x1  }
0x1dd: {  	[tilespmem:v21+s10+$0x0] =	vst.idx.add.f32.msk $0xffff, v17  }
0x1de: {  	[tilespmem:v18+s11+$0x0] =	vst.idx.add.f32.msk $0xffff, v19  }
0x1df: {  	v21 =	vld.idx.msk [tilespmem:v22+s1+$0x0], $0xffff  }
0x1e0: {  	v18 =	vld.idx.msk [tilespmem:v23+s1+$0x0], $0xffff  }
.Ltmp14:
0x1e1: {  	(pc) =	sbr.rel @p0 .LBB2_30-.Ltmp14, $3  }
0x1e2: {  	_ =	sdelay $0x1  }
0x1e3: {  	v20 =	vadd.s32 s16, v0;
	v17 =	vld.idx.msk [tilespmem:v22+s5+$0x0], $0xffff  }
0x1e4: {  	vm0 =	vgt.u32 v20, $0x31;
	v22 =	vadd.s32 s16, v3;
	s16 =	sadd.s32 $0x1, s16;
	v21 =	vadd.s32 v16, v21;
	v19 =	vld.idx.msk [tilespmem:v23+s5+$0x0], $0xffff  }
0x1e5: {  	v20 =	vsel vm0, v22, v20;
	v18 =	vadd.s32 v16, v18  }
0x1e6: {  	v22 =	vadd.s32 v5, v20  }
0x1e7: {  	v20 =	vadd.s32 v6, v20;
	_ =	sdelay $0x1  }
0x1e8: {  	[tilespmem:v21+s10+$0x0] =	vst.idx.add.f32.msk $0xffff, v17  }
0x1e9: {  	[tilespmem:v18+s11+$0x0] =	vst.idx.add.f32.msk $0xffff, v19  }
0x1ea: {  	v17 =	vld.idx.msk [tilespmem:v22+s1+$0x0], $0xffff  }
0x1eb: {  	v18 =	vld.idx.msk [tilespmem:v20+s1+$0x0], $0xffff;
	_ =	sdelay $0x3  }
0x1ec: {  	v19 =	vld.idx.msk [tilespmem:v22+s5+$0x0], $0xffff;
	v17 =	vadd.s32 v16, v17  }
0x1ed: {  	v20 =	vld.idx.msk [tilespmem:v20+s5+$0x0], $0xffff;
	v16 =	vadd.s32 v16, v18;
	_ =	sdelay $0x2  }
0x1ee: {  	s16 =	simm.s32 $0x0  }
0x1ef: {  	[tilespmem:v17+s10+$0x0] =	vst.idx.add.f32.msk $0xffff, v19;
	v17 =	vadd.s32 s16, v0  }
0x1f0: {  	[tilespmem:v16+s11+$0x0] =	vst.idx.add.f32.msk $0xffff, v20;
	vm0 =	vgt.u32 v17, $0x31;
	v16 =	vadd.s32 s16, v3  }
0x1f1: {  	_ =	swait.ge [sflag:s12], $0x2000;
	v16 =	vsel vm0, v16, v17  }
0x1f2: {  	[sflag:s12] =	ssyncset.done $0x0;
	v17 =	vadd.s32 v1, v16  }
0x1f3: {  	v20 =	vadd.s32 v4, v16;
	[sflag:s12] =	ssyncadd.s32 $0xFFFFE000  }
0x1f4: {  	_ =	swait.ge [sflag:s13], $0x2000  }
0x1f5: {  	[sflag:s13] =	ssyncset.done $0x0  }
0x1f6: {  	[sflag:s13] =	ssyncadd.s32 $0xFFFFE000  }
0x1f7: {  	v22 =	vld.idx.msk [tilespmem:v17+s8+$0x0], $0xffff  }
0x1f8: {  	v19 =	vld.idx.msk [tilespmem:v20+s8+$0x0], $0xffff;
	_ =	sdelay $0x1  }
0x1f9: {  	s16 =	simm.s32 $0x1  }
0x1fa: {  	v21 =	vadd.s32 s16, v0;
	v18 =	vld.idx.msk [tilespmem:v17+s9+$0x0], $0xffff;
	v17 =	vor.u32 $0x7000, v1  }
0x1fb: {  	s17 =	simm.s32 $0x2;
	v23 =	vadd.s32 s16, v3;
	vm0 =	vgt.u32 v21, $0x31;
	v20 =	vld.idx.msk [tilespmem:v20+s9+$0x0], $0xffff;
	v22 =	vadd.s32 v17, v22  }
.LBB2_32:
0x1fc: {  	p0 =	sne.s32 s17, $0x31;
	v21 =	vsel vm0, v23, v21;
	v19 =	vadd.s32 v17, v19  }
0x1fd: {  	v23 =	vadd.s32 v1, v21  }
0x1fe: {  	v24 =	vadd.s32 v4, v21;
	_ =	sdelay $0x1  }
0x1ff: {  	[tilespmem:v22+s10+$0x0] =	vst.idx.add.f32.msk $0xffff, v18  }
0x200: {  	[tilespmem:v19+s11+$0x0] =	vst.idx.add.f32.msk $0xffff, v20  }
0x201: {  	v22 =	vld.idx.msk [tilespmem:v23+s8+$0x0], $0xffff  }
0x202: {  	v19 =	vld.idx.msk [tilespmem:v24+s8+$0x0], $0xffff  }
.Ltmp15:
0x203: {  	(pc) =	sbr.rel @p0 .LBB2_32-.Ltmp15, $3  }
0x204: {  	_ =	sdelay $0x1  }
0x205: {  	v21 =	vadd.s32 s17, v0;
	v18 =	vld.idx.msk [tilespmem:v23+s9+$0x0], $0xffff  }
0x206: {  	vm0 =	vgt.u32 v21, $0x31;
	v23 =	vadd.s32 s17, v3;
	s17 =	sadd.s32 $0x1, s17;
	v22 =	vadd.s32 v17, v22;
	v20 =	vld.idx.msk [tilespmem:v24+s9+$0x0], $0xffff  }
0x207: {  	v21 =	vsel vm0, v23, v21;
	v19 =	vadd.s32 v17, v19  }
0x208: {  	v23 =	vadd.s32 v1, v21  }
0x209: {  	v21 =	vadd.s32 v4, v21;
	_ =	sdelay $0x1  }
0x20a: {  	[tilespmem:v22+s10+$0x0] =	vst.idx.add.f32.msk $0xffff, v18  }
0x20b: {  	[tilespmem:v19+s11+$0x0] =	vst.idx.add.f32.msk $0xffff, v20  }
0x20c: {  	v18 =	vld.idx.msk [tilespmem:v23+s8+$0x0], $0xffff  }
0x20d: {  	v19 =	vld.idx.msk [tilespmem:v21+s8+$0x0], $0xffff;
	_ =	sdelay $0x3  }
0x20e: {  	v20 =	vld.idx.msk [tilespmem:v23+s9+$0x0], $0xffff;
	v18 =	vadd.s32 v17, v18  }
0x20f: {  	v21 =	vld.idx.msk [tilespmem:v21+s9+$0x0], $0xffff;
	v17 =	vadd.s32 v17, v19  }
0x210: {  	v19 =	vadd.s32 v5, v16  }
0x211: {  	v23 =	vadd.s32 v6, v16;
	_ =	sdelay $0x1  }
0x212: {  	[tilespmem:v18+s10+$0x0] =	vst.idx.add.f32.msk $0xffff, v20  }
0x213: {  	[tilespmem:v17+s11+$0x0] =	vst.idx.add.f32.msk $0xffff, v21  }
0x214: {  	v21 =	vld.idx.msk [tilespmem:v19+s8+$0x0], $0xffff  }
0x215: {  	v18 =	vld.idx.msk [tilespmem:v23+s8+$0x0], $0xffff;
	_ =	sdelay $0x2  }
0x216: {  	v16 =	vor.u32 $0x7800, v1;
	v20 =	vadd.s32 s16, v0;
	v17 =	vld.idx.msk [tilespmem:v19+s9+$0x0], $0xffff  }
0x217: {  	v22 =	vadd.s32 s16, v3;
	s16 =	simm.s32 $0x2;
	vm0 =	vgt.u32 v20, $0x31;
	v19 =	vld.idx.msk [tilespmem:v23+s9+$0x0], $0xffff;
	v21 =	vadd.s32 v16, v21  }
.LBB2_34:
0x218: {  	p0 =	sne.s32 s16, $0x31;
	v20 =	vsel vm0, v22, v20;
	v18 =	vadd.s32 v16, v18  }
0x219: {  	v22 =	vadd.s32 v5, v20  }
0x21a: {  	v23 =	vadd.s32 v6, v20;
	_ =	sdelay $0x1  }
0x21b: {  	[tilespmem:v21+s10+$0x0] =	vst.idx.add.f32.msk $0xffff, v17  }
0x21c: {  	[tilespmem:v18+s11+$0x0] =	vst.idx.add.f32.msk $0xffff, v19  }
0x21d: {  	v21 =	vld.idx.msk [tilespmem:v22+s8+$0x0], $0xffff  }
0x21e: {  	v18 =	vld.idx.msk [tilespmem:v23+s8+$0x0], $0xffff  }
.Ltmp16:
0x21f: {  	(pc) =	sbr.rel @p0 .LBB2_34-.Ltmp16, $3  }
0x220: {  	_ =	sdelay $0x1  }
0x221: {  	v20 =	vadd.s32 s16, v0;
	v17 =	vld.idx.msk [tilespmem:v22+s9+$0x0], $0xffff  }
0x222: {  	vm0 =	vgt.u32 v20, $0x31;
	v22 =	vadd.s32 s16, v3;
	s16 =	sadd.s32 $0x1, s16;
	v21 =	vadd.s32 v16, v21;
	v19 =	vld.idx.msk [tilespmem:v23+s9+$0x0], $0xffff  }
0x223: {  	v20 =	vsel vm0, v22, v20;
	v18 =	vadd.s32 v16, v18  }
0x224: {  	v22 =	vadd.s32 v5, v20  }
0x225: {  	v20 =	vadd.s32 v6, v20;
	_ =	sdelay $0x1  }
0x226: {  	[tilespmem:v21+s10+$0x0] =	vst.idx.add.f32.msk $0xffff, v17  }
0x227: {  	[tilespmem:v18+s11+$0x0] =	vst.idx.add.f32.msk $0xffff, v19  }
0x228: {  	v17 =	vld.idx.msk [tilespmem:v22+s8+$0x0], $0xffff  }
0x229: {  	v18 =	vld.idx.msk [tilespmem:v20+s8+$0x0], $0xffff;
	_ =	sdelay $0x3  }
0x22a: {  	v19 =	vld.idx.msk [tilespmem:v22+s9+$0x0], $0xffff;
	v17 =	vadd.s32 v16, v17  }
0x22b: {  	v20 =	vld.idx.msk [tilespmem:v20+s9+$0x0], $0xffff;
	v16 =	vadd.s32 v16, v18;
	_ =	sdelay $0x3  }
0x22c: {  	[tilespmem:v17+s10+$0x0] =	vst.idx.add.f32.msk $0xffff, v19  }
0x22d: {  	[tilespmem:v16+s11+$0x0] =	vst.idx.add.f32.msk $0xffff, v20  }
0x22e: {  	[hbm4b:s18+s1] =	stream.linear.scatter [tilespmem:s10], [sflag:$0x5], $0x1000, $0x38;
	[tilespmem:$0x18000] =	vst v63  }
0x22f: {  	_ = 	snop  }
0x230: {  	[hbm4b:s29+s1] =	stream.linear.scatter [tilespmem:s11], [sflag:$0x5], $0x1000, $0x38;
	[tilespmem:$0x18000] =	vst v63  }
0x231: {  	s16 =	rddreg [dreg:$0x13];
	s17 =	simm.s32 $0x9000  }
0x232: {  	[hbm4b:s16+s1] =	stream.linear.scatter [tilespmem:s17], [sflag:$0x5], $0x1000, $0x38;
	[tilespmem:$0x18000] =	vst v63  }
0x233: {  	s20 =	simm.s32 $0x11000  }
0x234: {  	[hbm4b:s30+s1] =	stream.linear.scatter [tilespmem:s20], [sflag:$0x5], $0x1000, $0x38;
	[tilespmem:$0x18000] =	vst v63  }
0x235: {  	s17 =	simm.s32 $0xA000  }
0x236: {  	[hbm4b:s21+s1] =	stream.linear.scatter [tilespmem:s17], [sflag:$0x5], $0x1000, $0x38;
	[tilespmem:$0x18000] =	vst v63  }
0x237: {  	s20 =	simm.s32 $0x12000  }
0x238: {  	[hbm4b:s31+s1] =	stream.linear.scatter [tilespmem:s20], [sflag:$0x5], $0x1000, $0x38;
	[tilespmem:$0x18000] =	vst v63  }
0x239: {  	s17 =	simm.s32 $0xB000  }
0x23a: {  	[hbm4b:s22+s1] =	stream.linear.scatter [tilespmem:s17], [sflag:$0x5], $0x1000, $0x38;
	[tilespmem:$0x18000] =	vst v63  }
0x23b: {  	s20 =	simm.s32 $0x13000  }
0x23c: {  	[hbm4b:s19+s1] =	stream.linear.scatter [tilespmem:s20], [sflag:$0x5], $0x1000, $0x38;
	[tilespmem:$0x18000] =	vst v63  }
0x23d: {  	s17 =	simm.s32 $0xC000  }
0x23e: {  	[hbm4b:s23+s1] =	stream.linear.scatter [tilespmem:s17], [sflag:$0x5], $0x1000, $0x38;
	[tilespmem:$0x18000] =	vst v63  }
0x23f: {  	s20 =	simm.s32 $0x14000  }
0x240: {  	[hbm4b:s0+s1] =	stream.linear.scatter [tilespmem:s20], [sflag:$0x5], $0x1000, $0x38;
	[tilespmem:$0x18000] =	vst v63  }
0x241: {  	s17 =	simm.s32 $0xD000  }
0x242: {  	[hbm4b:s24+s1] =	stream.linear.scatter [tilespmem:s17], [sflag:$0x5], $0x1000, $0x38;
	[tilespmem:$0x18000] =	vst v63  }
0x243: {  	s20 =	simm.s32 $0x15000  }
0x244: {  	[hbm4b:s2+s1] =	stream.linear.scatter [tilespmem:s20], [sflag:$0x5], $0x1000, $0x38;
	[tilespmem:$0x18000] =	vst v63  }
0x245: {  	s17 =	simm.s32 $0xE000  }
0x246: {  	[hbm4b:s25+s1] =	stream.linear.scatter [tilespmem:s17], [sflag:$0x5], $0x1000, $0x38;
	[tilespmem:$0x18000] =	vst v63  }
0x247: {  	s20 =	simm.s32 $0x16000  }
0x248: {  	[hbm4b:s3+s1] =	stream.linear.scatter [tilespmem:s20], [sflag:$0x5], $0x1000, $0x38;
	[tilespmem:$0x18000] =	vst v63  }
0x249: {  	s17 =	simm.s32 $0xF000  }
0x24a: {  	[hbm4b:s26+s1] =	stream.linear.scatter [tilespmem:s17], [sflag:$0x5], $0x1000, $0x38;
	[tilespmem:$0x18000] =	vst v63  }
0x24b: {  	s20 =	simm.s32 $0x17000  }
0x24c: {  	[hbm4b:s4+s1] =	stream.linear.scatter [tilespmem:s20], [sflag:$0x5], $0x1000, $0x38;
	[tilespmem:$0x18000] =	vst v63  }
0x24d: {  	_ =	swait.ge [sflag:s14], $0x1000  }
0x24e: {  	[sflag:s14] =	ssyncset.done $0x0  }
0x24f: {  	[sflag:s14] =	ssyncadd.s32 $0xFFFFF000  }
0x250: {  	_ =	swait.ge [sflag:s14], $0x1000  }
0x251: {  	[sflag:s14] =	ssyncset.done $0x0  }
0x252: {  	[sflag:s14] =	ssyncadd.s32 $0xFFFFF000  }
0x253: {  	_ =	swait.ge [sflag:s14], $0x1000  }
0x254: {  	[sflag:s14] =	ssyncset.done $0x0  }
0x255: {  	[sflag:s14] =	ssyncadd.s32 $0xFFFFF000  }
0x256: {  	_ =	swait.ge [sflag:s14], $0x1000  }
0x257: {  	[sflag:s14] =	ssyncset.done $0x0  }
0x258: {  	[sflag:s14] =	ssyncadd.s32 $0xFFFFF000  }
0x259: {  	_ =	swait.ge [sflag:s14], $0x1000  }
0x25a: {  	[sflag:s14] =	ssyncset.done $0x0  }
0x25b: {  	[sflag:s14] =	ssyncadd.s32 $0xFFFFF000  }
0x25c: {  	_ =	swait.ge [sflag:s14], $0x1000  }
0x25d: {  	[sflag:s14] =	ssyncset.done $0x0  }
0x25e: {  	[sflag:s14] =	ssyncadd.s32 $0xFFFFF000  }
0x25f: {  	_ =	swait.ge [sflag:s14], $0x1000  }
0x260: {  	[sflag:s14] =	ssyncset.done $0x0  }
0x261: {  	[sflag:s14] =	ssyncadd.s32 $0xFFFFF000  }
0x262: {  	_ =	swait.ge [sflag:s14], $0x1000  }
0x263: {  	[sflag:s14] =	ssyncset.done $0x0  }
0x264: {  	[sflag:s14] =	ssyncadd.s32 $0xFFFFF000  }
0x265: {  	_ =	swait.ge [sflag:s14], $0x1000  }
0x266: {  	[sflag:s14] =	ssyncset.done $0x0  }
0x267: {  	[sflag:s14] =	ssyncadd.s32 $0xFFFFF000  }
0x268: {  	_ =	swait.ge [sflag:s14], $0x1000  }
0x269: {  	[sflag:s14] =	ssyncset.done $0x0  }
0x26a: {  	[sflag:s14] =	ssyncadd.s32 $0xFFFFF000  }
0x26b: {  	_ =	swait.ge [sflag:s14], $0x1000  }
0x26c: {  	[sflag:s14] =	ssyncset.done $0x0  }
0x26d: {  	[sflag:s14] =	ssyncadd.s32 $0xFFFFF000  }
0x26e: {  	_ =	swait.ge [sflag:s14], $0x1000  }
0x26f: {  	[sflag:s14] =	ssyncset.done $0x0  }
0x270: {  	[sflag:s14] =	ssyncadd.s32 $0xFFFFF000  }
0x271: {  	_ =	swait.ge [sflag:s14], $0x1000  }
0x272: {  	[sflag:s14] =	ssyncset.done $0x0  }
0x273: {  	[sflag:s14] =	ssyncadd.s32 $0xFFFFF000  }
0x274: {  	_ =	swait.ge [sflag:s14], $0x1000  }
0x275: {  	[sflag:s14] =	ssyncset.done $0x0  }
0x276: {  	s15 =	sadd.s32 $0x1, s15;
	[sflag:s14] =	ssyncadd.s32 $0xFFFFF000  }
0x277: {  	p0 =	sne.s32 s15, s28;
	_ =	swait.ge [sflag:s14], $0x1000  }
.Ltmp17:
0x278: {  	[sflag:s14] =	ssyncset.done $0x0;
	(pc) =	sbr.rel @p0 .LBB2_1-.Ltmp17, $4  }
0x279: {  	[sflag:s14] =	ssyncadd.s32 $0xFFFFF000  }
0x27a: {  	_ =	swait.ge [sflag:s14], $0x1000  }
0x27b: {  	[sflag:s14] =	ssyncset.done $0x0  }
0x27c: {  	[sflag:s14] =	ssyncadd.s32 $0xFFFFF000  }
0x27d: {  	_ =	sfence.sel $0x180000  }
0x27e: {  	[bflag:$0x0] =	sbarrier.arrive $0xFFFF  }
0x27f: {  	_ =	strace $0x90000047  }
0x280: {  	s0 =	stileid.u32;
	[bflag:$0x2] =	sbarrier.arrive $0xFFFF  }
0x281: {  	p0 =	sne.s32 s0, $0x0;
	s0 =	rddreg [dreg:$0x2]  }
0x282: {  	s0 =	sadd.s32 @!p0 $0x100000, s0  }
0x283: {  	[sflag:s0] =	ssyncadd.tile.s32 @!p0 $0x1;
	_ =	shalt  }
.Lfunc_end2:
_tile_overlayer_lowered:
.L_overlay_start_2:
0x284: {  	(tag) =	ssettag $0x2  }
0x285: {  	s0 =	rddreg [dreg:$0x0];
	s2 =	stileid.u32  }
0x286: {  	s1 =	rddreg [dreg:$0x1];
	p0 =	sne.s32 s2, $0x0  }
0x287: {  	s3 =	rddreg [dreg:$0x2];
	[bflag:$0x3] =	sbarrier.arrive $0xFFFF;
	s2 =	simm.s32 @!p0 $0x1C06  }
0x288: {  	[timem:s3], [sflag:s2] =	dma.local @!p0 [hbm:s0], s1  }
0x289: {  	s0 =	simm.s32 @!p0 $0x6  }
0x28a: {  	_ =	swait.ge @!p0 [sflag:s0], s1  }
0x28b: {  	s1 =	ssub.s32 @!p0 $0x0, s1;
	[sflag:s0] =	ssyncset.done @!p0 $0x0  }
0x28c: {  	[sflag:s0] =	ssyncadd.s32 @!p0 s1  }
0x28d: {  	[bflag:$0x3] =	sbarrier.arrive $0xFFFF  }
0x28e: {  	_ =	shalt  }

</sc_bundles>
